<compile_context>
chip_gen: v7x
topology: tpu7x:2x2x1
jax: 0.10.2.dev20260603
libtpu: 0.0.44.dev20260713+nightly
codegen_flags: <defaults>
</compile_context>

<pallas_src>
import functools

import jax
import jax.numpy as jnp
from jax import lax
from jax.experimental import pallas as pl
from jax.experimental.pallas import tpu as pltpu
from jax.experimental.pallas import tpu_sc as plsc

N = 10000
E = 160000
D = 256
H = 256
C = 64

NSUB = 16
EPAD = 163840
EROWS = EPAD // 128
ROWS_PER_SUB = EROWS // NSUB
CHUNK_ROWS = 8
NCHUNK = ROWS_PER_SUB // CHUNK_ROWS
NRD = 10112
NRA = 10016
IDXROWS = ROWS_PER_SUB // 2
WB = 624
WBTAIL = N - WB * NSUB
DEGWB = NRD // NSUB

_HI = jax.lax.Precision.HIGHEST

@functools.lru_cache(maxsize=None)
def _vector_mesh():
  return plsc.VectorSubcoreMesh(
      core_axis_name="c", subcore_axis_name="s", num_cores=2, num_subcores=NSUB)



def _sc_degree(dst2d, ones2d, zeros2d):

  @functools.partial(
      pl.kernel,
      out_type=(jax.ShapeDtypeStruct((NRD, 16), jnp.float32),
                jax.ShapeDtypeStruct((NRD, 16), jnp.float32)),
      mesh=_vector_mesh(),
      compiler_params=pltpu.CompilerParams(use_tc_tiling_on_sc=False),
      scratch_types=[
          pltpu.VMEM((IDXROWS, 128), jnp.int32),
          pltpu.VMEM((128, 16), jnp.float32),
          pltpu.VMEM_SHARED((NRD, 16), jnp.float32),
      ],
  )
  def deg_kernel(dst_hbm, ones_hbm, zeros_hbm, outa_hbm, outb_hbm,
                 dst_v, ones_v, acc_sh):
    c = lax.axis_index("c")
    s = lax.axis_index("s")

    pltpu.sync_copy(ones_hbm, ones_v)
    pltpu.sync_copy(zeros_hbm.at[pl.ds(s * DEGWB, DEGWB)],
                    acc_sh.at[pl.ds(s * DEGWB, DEGWB)])
    plsc.subcore_barrier()

    base = c * (EROWS // 2) + s * IDXROWS
    pltpu.sync_copy(dst_hbm.at[pl.ds(base, IDXROWS)], dst_v)

    @pl.loop(0, IDXROWS)
    def _(j):
      pltpu.sync_copy(ones_v, acc_sh.at[dst_v.at[j]], add=True)

    plsc.subcore_barrier()

    def wb(out_hbm):
      pltpu.sync_copy(acc_sh.at[pl.ds(s * DEGWB, DEGWB)],
                      out_hbm.at[pl.ds(s * DEGWB, DEGWB)])

    @pl.when(c == 0)
    def _():
      wb(outa_hbm)

    @pl.when(c == 1)
    def _():
      wb(outb_hbm)

  return deg_kernel(dst2d, ones2d, zeros2d)


def _make_sc_agg(fc):

  cp = (None if fc % 128 == 0
        else pltpu.CompilerParams(use_tc_tiling_on_sc=False))

  @functools.partial(
      pl.kernel,
      out_type=(jax.ShapeDtypeStruct((N, fc), jnp.float32),
                jax.ShapeDtypeStruct((N, fc), jnp.float32)),
      mesh=_vector_mesh(),
      compiler_params=cp,
      scratch_types=[
          pltpu.VMEM((IDXROWS, 128), jnp.int32),
          pltpu.VMEM((IDXROWS, 128), jnp.int32),
          pltpu.VMEM((128, fc), jnp.float32),
          pltpu.VMEM((128, fc), jnp.float32),
          pltpu.VMEM_SHARED((NRA, fc), jnp.float32),
          pltpu.SemaphoreType.DMA,
          pltpu.SemaphoreType.DMA,
      ],
  )
  def agg_kernel(h0_hbm, h1_hbm, src_hbm, dst_hbm, out0_hbm, out1_hbm,
                 src_v, dst_v, rows_a, rows_b, acc_sh, sem_a, sem_b):
    c = lax.axis_index("c")
    s = lax.axis_index("s")

    def run(h_hbm, out_hbm):
      pltpu.sync_copy(h_hbm.at[pl.ds(s * WB, WB)], acc_sh.at[pl.ds(s * WB, WB)])

      @pl.when(s == 0)
      def _():
        pltpu.sync_copy(h_hbm.at[pl.ds(WB * NSUB, WBTAIL)],
                        acc_sh.at[pl.ds(WB * NSUB, WBTAIL)])

      plsc.subcore_barrier()

      def start(r, buf, sem):
        pltpu.async_copy(h_hbm.at[src_v.at[r]], buf, sem)

      def wait(buf, sem):
        pltpu.make_async_copy(h_hbm.at[pl.ds(0, 128)], buf, sem).wait()

      def scat(r, buf):
        pltpu.sync_copy(buf, acc_sh.at[dst_v.at[r]], add=True)

      @pl.loop(0, 2)
      def _(p):
        base = s * ROWS_PER_SUB + p * IDXROWS
        pltpu.sync_copy(src_hbm.at[pl.ds(base, IDXROWS)], src_v)
        pltpu.sync_copy(dst_hbm.at[pl.ds(base, IDXROWS)], dst_v)
        start(0, rows_a, sem_a)

        @pl.loop(0, IDXROWS, step=2)
        def _(r):
          start(r + 1, rows_b, sem_b)
          wait(rows_a, sem_a)
          scat(r, rows_a)

          @pl.when(r + 2 < IDXROWS)
          def _():
            start(r + 2, rows_a, sem_a)

          wait(rows_b, sem_b)
          scat(r + 1, rows_b)

      plsc.subcore_barrier()
      pltpu.sync_copy(acc_sh.at[pl.ds(s * WB, WB)], out_hbm.at[pl.ds(s * WB, WB)])

      @pl.when(s == 0)
      def _():
        pltpu.sync_copy(acc_sh.at[pl.ds(WB * NSUB, WBTAIL)],
                        out_hbm.at[pl.ds(WB * NSUB, WBTAIL)])

    @pl.when(c == 0)
    def _():
      run(h0_hbm, out0_hbm)

    @pl.when(c == 1)
    def _():
      run(h1_hbm, out1_hbm)

  return agg_kernel


_make_sc_agg = functools.lru_cache(maxsize=None)(_make_sc_agg)


@functools.lru_cache(maxsize=None)
def _make_sc_agg_edges():

  @functools.partial(
      pl.kernel,
      out_type=(jax.ShapeDtypeStruct((N, C), jnp.float32),
                jax.ShapeDtypeStruct((N, C), jnp.float32)),
      mesh=_vector_mesh(),
      compiler_params=pltpu.CompilerParams(use_tc_tiling_on_sc=False),
      scratch_types=[
          pltpu.VMEM((IDXROWS, 128), jnp.int32),
          pltpu.VMEM((IDXROWS, 128), jnp.int32),
          pltpu.VMEM((128, C), jnp.float32),
          pltpu.VMEM((128, C), jnp.float32),
          pltpu.VMEM_SHARED((NRA, C), jnp.float32),
          pltpu.SemaphoreType.DMA,
          pltpu.SemaphoreType.DMA,
      ],
  )
  def agg_kernel(h_hbm, src_hbm, dst_hbm, oa_hbm, ob_hbm,
                 src_v, dst_v, rows_a, rows_b, acc_sh, sem_a, sem_b):
    c = lax.axis_index("c")
    s = lax.axis_index("s")

    pltpu.sync_copy(h_hbm.at[pl.ds(s * WB, WB)], acc_sh.at[pl.ds(s * WB, WB)])

    @pl.when(s == 0)
    def _():
      pltpu.sync_copy(h_hbm.at[pl.ds(WB * NSUB, WBTAIL)],
                      acc_sh.at[pl.ds(WB * NSUB, WBTAIL)])

    plsc.subcore_barrier()

    def start(r, buf, sem):
      pltpu.async_copy(h_hbm.at[src_v.at[r]], buf, sem)

    def wait(buf, sem):
      pltpu.make_async_copy(h_hbm.at[pl.ds(0, 128)], buf, sem).wait()

    def scat(r, buf):
      pltpu.sync_copy(buf, acc_sh.at[dst_v.at[r]], add=True)

    base = c * (EROWS // 2) + s * IDXROWS
    pltpu.sync_copy(src_hbm.at[pl.ds(base, IDXROWS)], src_v)
    pltpu.sync_copy(dst_hbm.at[pl.ds(base, IDXROWS)], dst_v)
    start(0, rows_a, sem_a)

    @pl.loop(0, IDXROWS, step=2)
    def _(r):
      start(r + 1, rows_b, sem_b)
      wait(rows_a, sem_a)
      scat(r, rows_a)

      @pl.when(r + 2 < IDXROWS)
      def _():
        start(r + 2, rows_a, sem_a)

      wait(rows_b, sem_b)
      scat(r + 1, rows_b)

    plsc.subcore_barrier()

    def wb(out_hbm):
      pltpu.sync_copy(acc_sh.at[pl.ds(s * WB, WB)],
                      out_hbm.at[pl.ds(s * WB, WB)])

      @pl.when(s == 0)
      def _():
        pltpu.sync_copy(acc_sh.at[pl.ds(WB * NSUB, WBTAIL)],
                        out_hbm.at[pl.ds(WB * NSUB, WBTAIL)])

    @pl.when(c == 0)
    def _():
      wb(oa_hbm)

    @pl.when(c == 1)
    def _():
      wb(ob_hbm)

  return agg_kernel



_BR = 1000


def _mm1_body(x_ref, w_ref, dega_ref, degb_ref, o0_ref, o1_ref):
  dinv = lax.rsqrt(dega_ref[:, 0:1] + degb_ref[:, 0:1] + 1.0)
  o = lax.dot_general(x_ref[...], w_ref[...], (((1,), (0,)), ((), ())),
                      precision=_HI, preferred_element_type=jnp.float32)
  o = o * dinv
  o0_ref[...] = o[:, :128]
  o1_ref[...] = o[:, 128:]


def _tc_mm1scale(x, w1, dega, degb):
  return pl.pallas_call(
      _mm1_body,
      grid=(N // _BR,),
      in_specs=[
          pl.BlockSpec((_BR, D), lambda i: (i, 0)),
          pl.BlockSpec((D, H), lambda i: (0, 0)),
          pl.BlockSpec((_BR, 16), lambda i: (i, 0)),
          pl.BlockSpec((_BR, 16), lambda i: (i, 0)),
      ],
      out_specs=[
          pl.BlockSpec((_BR, 128), lambda i: (i, 0)),
          pl.BlockSpec((_BR, 128), lambda i: (i, 0)),
      ],
      out_shape=[jax.ShapeDtypeStruct((N, 128), jnp.float32),
                 jax.ShapeDtypeStruct((N, 128), jnp.float32)],
  )(x, w1, dega, degb)


def _layer2_body(a0_ref, a1_ref, dega_ref, degb_ref, b1_ref, w2_ref, o_ref):
  dinv = lax.rsqrt(dega_ref[:, 0:1] + degb_ref[:, 0:1] + 1.0)
  h0 = jax.nn.relu(a0_ref[...] * dinv + b1_ref[0:1, :128])
  h1 = jax.nn.relu(a1_ref[...] * dinv + b1_ref[0:1, 128:])
  o = lax.dot_general(h0, w2_ref[:128, :], (((1,), (0,)), ((), ())),
                      precision=_HI, preferred_element_type=jnp.float32)
  o += lax.dot_general(h1, w2_ref[128:, :], (((1,), (0,)), ((), ())),
                       precision=_HI, preferred_element_type=jnp.float32)
  o_ref[...] = o * dinv


def _tc_layer2(a0, a1, dega, degb, b1, w2):
  return pl.pallas_call(
      _layer2_body,
      grid=(N // _BR,),
      in_specs=[
          pl.BlockSpec((_BR, 128), lambda i: (i, 0)),
          pl.BlockSpec((_BR, 128), lambda i: (i, 0)),
          pl.BlockSpec((_BR, 16), lambda i: (i, 0)),
          pl.BlockSpec((_BR, 16), lambda i: (i, 0)),
          pl.BlockSpec((1, H), lambda i: (0, 0)),
          pl.BlockSpec((H, C), lambda i: (0, 0)),
      ],
      out_specs=pl.BlockSpec((_BR, C), lambda i: (i, 0)),
      out_shape=jax.ShapeDtypeStruct((N, C), jnp.float32),
  )(a0, a1, dega, degb, b1, w2)


def _finalize_body(aa_ref, ab_ref, hs_ref, dega_ref, degb_ref, b2_ref,
                   logp_ref, hi_ref, lo_ref, rhs_ref):
  dinv = lax.rsqrt(dega_ref[0:N, 0:1] + degb_ref[0:N, 0:1] + 1.0)
  o = (aa_ref[...] + ab_ref[...] - hs_ref[...]) * dinv + b2_ref[0:1, :]
  m = jnp.max(o, axis=1, keepdims=True)
  sh = o - m
  lse = jnp.log(jnp.sum(jnp.exp(sh), axis=1, keepdims=True))
  logp_ref[...] = sh - lse
  sq = jnp.sum(o * o, axis=1, keepdims=True)
  on = o * lax.rsqrt(sq)
  hi = on.astype(jnp.bfloat16)
  hi_ref[...] = hi
  lo_ref[...] = (on - hi.astype(jnp.float32)).astype(jnp.bfloat16)
  ot = on.T
  hit = ot.astype(jnp.bfloat16)
  lot = (ot - hit.astype(jnp.float32)).astype(jnp.bfloat16)
  rhs_ref[0:C, :] = hit
  rhs_ref[C:2 * C, :] = lot
  rhs_ref[2 * C:3 * C, :] = hit
  rhs_ref[3 * C:, :] = lot


def _tc_finalize(aa, ab, hs2, dega, degb, b2):
  return pl.pallas_call(
      _finalize_body,
      out_shape=[jax.ShapeDtypeStruct((N, C), jnp.float32),
                 jax.ShapeDtypeStruct((N, C), jnp.bfloat16),
                 jax.ShapeDtypeStruct((N, C), jnp.bfloat16),
                 jax.ShapeDtypeStruct((4 * C, N), jnp.bfloat16)],
  )(aa, ab, hs2, dega, degb, b2)


_BS = 200


def _sim_body(hi_ref, lo_ref, rhs_ref, mask_ref, o_ref):
  dn = (((1,), (0,)), ((), ()))
  hi, lo = hi_ref[...], lo_ref[...]
  lhs = jnp.concatenate([hi, hi, lo, lo], axis=1)
  s = lax.dot_general(lhs, rhs_ref[...], dn, preferred_element_type=jnp.float32)
  o_ref[...] = (1.0 - mask_ref[...]) * s


def _tc_sim(on_hi, on_lo, rhs, mask):
  return pl.pallas_call(
      _sim_body,
      grid=(N // _BS,),
      in_specs=[
          pl.BlockSpec((_BS, C), lambda i: (i, 0)),
          pl.BlockSpec((_BS, C), lambda i: (i, 0)),
          pl.BlockSpec((4 * C, N), lambda i: (0, 0)),
          pl.BlockSpec((_BS, N), lambda i: (i, 0)),
      ],
      out_specs=pl.BlockSpec((_BS, N), lambda i: (i, 0)),
      out_shape=jax.ShapeDtypeStruct((N, N), jnp.float32),
  )(on_hi, on_lo, rhs, mask)



def kernel(x, edge_index, mask, W1, b1, W2, b2):
  src = edge_index[0].astype(jnp.int32)
  dst = edge_index[1].astype(jnp.int32)

  extra = EPAD - E
  pad_ids = jnp.arange(extra, dtype=jnp.int32)
  src_p = jnp.concatenate([src, pad_ids]).reshape(EROWS, 128)
  dst_p = jnp.concatenate([dst, N + (pad_ids & 15)]).reshape(EROWS, 128)

  ones2d = jnp.ones((128, 16), jnp.float32)
  zeros2d = jnp.zeros((NRD, 16), jnp.float32)
  dega, degb = _sc_degree(dst_p, ones2d, zeros2d)

  hs1_0, hs1_1 = _tc_mm1scale(x, W1, dega, degb)
  a1_0, a1_1 = _make_sc_agg(128)(hs1_0, hs1_1, src_p, dst_p)
  hs2 = _tc_layer2(a1_0, a1_1, dega, degb, b1.reshape(1, H), W2)
  a2_a, a2_b = _make_sc_agg_edges()(hs2, src_p, dst_p)
  logp, on_hi, on_lo, rhs = _tc_finalize(a2_a, a2_b, hs2, dega, degb,
                                         b2.reshape(1, C))
  x_dis = _tc_sim(on_hi, on_lo, rhs, mask)
  return (logp, x_dis)

# --- scband reference (transcript-rebuilt; emitter-appended) ---
"""Pipeline reference for scband-gcn-loss-8409545965940 (READ-ONLY COPY).

The authoritative reference and input builder live on the scoring server;
editing this copy changes nothing except your own understanding.
"""

import jax, jax.numpy as jnp
import numpy as np

N = 10000
E = 160000
D = 256
H = 256
C = 64


def setup_inputs(seed: int = 0) -> dict:
    key = jax.random.key(seed)
    k1, k2, k3, k4, k5 = jax.random.split(key, 5)
    x = jax.random.normal(k1, (N, D), dtype=jnp.float32)
    edge_index = jax.random.randint(k2, (2, E), 0, N, dtype=jnp.int32)
    mask = jax.random.uniform(k3, (N, N), dtype=jnp.float32)
    W1 = jax.random.normal(k4, (D, H), dtype=jnp.float32) * (1.0 / np.sqrt(D))
    b1 = jnp.zeros((H,), dtype=jnp.float32)
    W2 = jax.random.normal(k5, (H, C), dtype=jnp.float32) * (1.0 / np.sqrt(H))
    b2 = jnp.zeros((C,), dtype=jnp.float32)
    return {"x": x, "edge_index": edge_index, "mask": mask,
            "W1": W1, "b1": b1, "W2": W2, "b2": b2}


def _gcn_conv(x, src, dst, W, b):
    # PyG GCNConv with symmetric normalization; self-loops already appended to src/dst.
    h = x @ W
    deg = jnp.zeros((N,), jnp.float32).at[dst].add(1.0)
    dinv = jnp.where(deg > 0, deg ** -0.5, 0.0)
    norm = dinv[src] * dinv[dst]
    msg = h[src] * norm[:, None]
    out = jnp.zeros((N, h.shape[1]), h.dtype).at[dst].add(msg)
    return out + b


def _get_feature_dis(x, mask):
    x_dis = x @ x.T
    x_sum = jnp.sum(x ** 2, axis=1).reshape(-1, 1)
    x_sum = jnp.sqrt(x_sum).reshape(-1, 1)
    x_sum = x_sum @ x_sum.T
    x_dis = x_dis * (x_sum ** -1.0)
    x_dis = (1.0 - mask) * x_dis
    return x_dis


def reference(x, edge_index, mask, W1, b1, W2, b2):
    loop = jnp.arange(N, dtype=edge_index.dtype)
    src = jnp.concatenate([edge_index[0], loop])
    dst = jnp.concatenate([edge_index[1], loop])
    h = jax.nn.relu(_gcn_conv(x, src, dst, W1, b1))
    # dropout: inference mode (training=False) -> identity
    out = _gcn_conv(h, src, dst, W2, b2)
    x_dis = _get_feature_dis(out, mask)
    return (jax.nn.log_softmax(out, axis=1), x_dis)

if __name__ == "__main__":
    import jax
    _d = setup_inputs()
    print(jax.jit(kernel)(*tuple(_d.values())))

</pallas_src>

<mosaic_0001>
#map = affine_map<(d0, d1) -> (0, 0)>
module attributes {stable_mosaic.version = 14 : i64} {
  func.func @deg_kernel(%arg0: i32, %arg1: i32, %arg2: memref<1280x128xi32, #tpu.memory_space<hbm>>, %arg3: memref<128x16xf32, #tpu.memory_space<hbm>>, %arg4: memref<10112x16xf32, #tpu.memory_space<hbm>>, %arg5: memref<10112x16xf32, #tpu.memory_space<hbm>>, %arg6: memref<10112x16xf32, #tpu.memory_space<hbm>>, %arg7: memref<40x128xi32, #tpu.memory_space<vmem>>, %arg8: memref<128x16xf32, #tpu.memory_space<vmem>>, %arg9: memref<10112x16xf32, #tpu.memory_space<vmem_shared>>) attributes {dimension_semantics = [#tpu.dimension_semantics<core_parallel>, #tpu.dimension_semantics<subcore_parallel>], iteration_bounds = array<i64: 2, 16>, scalar_prefetch = 0 : i64, scratch_operands = 3 : i64, tpu.core_type = #tpu.core_type<sc_vector_subcore>, window_params = [{transform_indices = #map}, {transform_indices = #map}, {transform_indices = #map}, {transform_indices = #map}, {transform_indices = #map}]} {
    "tpu.region"() ({
      %run_scoped3A = tpu.sem_alloc : memref<!tpu.dma_semaphore, #tpu.memory_space<semaphore_mem>>
      tpu.enqueue_dma source(%arg3 : memref<128x16xf32, #tpu.memory_space<hbm>>) target(%arg8 : memref<128x16xf32, #tpu.memory_space<vmem>>) target_semaphore(%run_scoped3A : memref<!tpu.dma_semaphore, #tpu.memory_space<semaphore_mem>>)
      tpu.wait_dma2 semaphore(%run_scoped3A : memref<!tpu.dma_semaphore, #tpu.memory_space<semaphore_mem>>) src(%arg3 : memref<128x16xf32, #tpu.memory_space<hbm>>) dst(%arg8 : memref<128x16xf32, #tpu.memory_space<vmem>>)
      tpu.yield
    }) : () -> ()
    %mul3A = arith.constant 632 : i32
    %mul3A_0 = arith.muli %arg1, %mul3A : i32
    %mul3A_1 = arith.constant 632 : i32
    %mul3A_2 = arith.muli %arg1, %mul3A_1 : i32
    "tpu.region"() ({
      %run_scoped3A = tpu.sem_alloc : memref<!tpu.dma_semaphore, #tpu.memory_space<semaphore_mem>>
      %dma_start3A = arith.constant 0 : i32
      %dma_start3A_19 = tpu.memref_slice %arg9[%mul3A_2, %dma_start3A] : memref<10112x16xf32, #tpu.memory_space<vmem_shared>> -> memref<632x16xf32, #tpu.memory_space<vmem_shared>>
      %dma_start3A_20 = arith.constant 0 : i32
      %dma_start3A_21 = tpu.memref_slice %arg4[%mul3A_0, %dma_start3A_20] : memref<10112x16xf32, #tpu.memory_space<hbm>> -> memref<632x16xf32, #tpu.memory_space<hbm>>
      tpu.enqueue_dma source(%dma_start3A_21 : memref<632x16xf32, #tpu.memory_space<hbm>>) target(%dma_start3A_19 : memref<632x16xf32, #tpu.memory_space<vmem_shared>>) target_semaphore(%run_scoped3A : memref<!tpu.dma_semaphore, #tpu.memory_space<semaphore_mem>>)
      %dma_wait3A = arith.constant 0 : i32
      %dma_wait3A_22 = tpu.memref_slice %arg9[%mul3A_2, %dma_wait3A] : memref<10112x16xf32, #tpu.memory_space<vmem_shared>> -> memref<632x16xf32, #tpu.memory_space<vmem_shared>>
      %dma_wait3A_23 = arith.constant 0 : i32
      %dma_wait3A_24 = tpu.memref_slice %arg4[%mul3A_0, %dma_wait3A_23] : memref<10112x16xf32, #tpu.memory_space<hbm>> -> memref<632x16xf32, #tpu.memory_space<hbm>>
      tpu.wait_dma2 semaphore(%run_scoped3A : memref<!tpu.dma_semaphore, #tpu.memory_space<semaphore_mem>>) src(%dma_wait3A_24 : memref<632x16xf32, #tpu.memory_space<hbm>>) dst(%dma_wait3A_22 : memref<632x16xf32, #tpu.memory_space<vmem_shared>>)
      tpu.yield
    }) : () -> ()
    %barrier3A = arith.constant 0 : index
    tpu.barrier barrier_id(%barrier3A)
    %mul3A_3 = arith.constant 640 : i32
    %mul3A_4 = arith.muli %arg0, %mul3A_3 : i32
    %mul3A_5 = arith.constant 40 : i32
    %mul3A_6 = arith.muli %arg1, %mul3A_5 : i32
    %add3A = arith.addi %mul3A_4, %mul3A_6 : i32
    "tpu.region"() ({
      %run_scoped3A = tpu.sem_alloc : memref<!tpu.dma_semaphore, #tpu.memory_space<semaphore_mem>>
      %dma_start3A = arith.constant 0 : i32
      %dma_start3A_19 = tpu.memref_slice %arg2[%add3A, %dma_start3A] : memref<1280x128xi32, #tpu.memory_space<hbm>> -> memref<40x128xi32, #tpu.memory_space<hbm>>
      %dma_start3A_20 = arith.constant 0 : i32
      %dma_start3A_21 = tpu.memref_slice %arg2[%add3A, %dma_start3A_20] : memref<1280x128xi32, #tpu.memory_space<hbm>> -> memref<40x128xi32, #tpu.memory_space<hbm>>
      tpu.enqueue_dma source(%dma_start3A_21 : memref<40x128xi32, #tpu.memory_space<hbm>>) target(%arg7 : memref<40x128xi32, #tpu.memory_space<vmem>>) target_semaphore(%run_scoped3A : memref<!tpu.dma_semaphore, #tpu.memory_space<semaphore_mem>>)
      %dma_wait3A = arith.constant 0 : i32
      %dma_wait3A_22 = tpu.memref_slice %arg2[%add3A, %dma_wait3A] : memref<1280x128xi32, #tpu.memory_space<hbm>> -> memref<40x128xi32, #tpu.memory_space<hbm>>
      %dma_wait3A_23 = arith.constant 0 : i32
      %dma_wait3A_24 = tpu.memref_slice %arg2[%add3A, %dma_wait3A_23] : memref<1280x128xi32, #tpu.memory_space<hbm>> -> memref<40x128xi32, #tpu.memory_space<hbm>>
      tpu.wait_dma2 semaphore(%run_scoped3A : memref<!tpu.dma_semaphore, #tpu.memory_space<semaphore_mem>>) src(%dma_wait3A_24 : memref<40x128xi32, #tpu.memory_space<hbm>>) dst(%arg7 : memref<40x128xi32, #tpu.memory_space<vmem>>)
      tpu.yield
    }) : () -> ()
    %scan3A = arith.constant 0 : i32
    %scan3A_7 = arith.constant 40 : i32
    %scan3A_8 = arith.addi %scan3A, %scan3A_7 : i32
    %scan3A_9 = arith.constant 1 : i32
    scf.for %scan3A_19 = %scan3A to %scan3A_8 step %scan3A_9  : i32 {
      %mul3A_20 = arith.constant 1 : i32
      %mul3A_21 = arith.muli %scan3A_19, %mul3A_20 : i32
      %add3A_22 = arith.constant 0 : i32
      %add3A_23 = arith.addi %add3A_22, %mul3A_21 : i32
      "tpu.region"() ({
        %run_scoped3A = tpu.sem_alloc : memref<!tpu.dma_semaphore, #tpu.memory_space<semaphore_mem>>
        %dma_start3A = arith.constant 0 : i32
        %dma_start3A_24 = tpu.memref_slice %arg7[%add3A_23, %dma_start3A] : memref<40x128xi32, #tpu.memory_space<vmem>> -> memref<1x128xi32, #tpu.memory_space<vmem>>
        %dma_start3A_25 = tpu.memref_squeeze %dma_start3A_24 : memref<1x128xi32, #tpu.memory_space<vmem>> -> memref<128xi32, #tpu.memory_space<vmem>>
        %dma_start3A_26 = arith.constant 0 : i32
        %dma_start3A_27 = arith.constant 0 : i32
        %dma_start3A_28 = tpu.memref_slice %arg9[%dma_start3A_26, %dma_start3A_27] : memref<10112x16xf32, #tpu.memory_space<vmem_shared>> -> memref<10112x16xf32, #tpu.memory_space<vmem_shared>>
        tpu.enqueue_indirect_dma source(%arg8 : memref<128x16xf32, #tpu.memory_space<vmem>>) target(%dma_start3A_28 : memref<10112x16xf32, #tpu.memory_space<vmem_shared>>) offsets(%dma_start3A_25 : memref<128xi32, #tpu.memory_space<vmem>>) semaphore(%run_scoped3A : memref<!tpu.dma_semaphore, #tpu.memory_space<semaphore_mem>>) {add = true}
        %dma_wait3A = arith.constant 0 : i32
        %dma_wait3A_29 = tpu.memref_slice %arg7[%add3A_23, %dma_wait3A] : memref<40x128xi32, #tpu.memory_space<vmem>> -> memref<1x128xi32, #tpu.memory_space<vmem>>
        %dma_wait3A_30 = tpu.memref_squeeze %dma_wait3A_29 : memref<1x128xi32, #tpu.memory_space<vmem>> -> memref<128xi32, #tpu.memory_space<vmem>>
        %dma_wait3A_31 = arith.constant 0 : i32
        %dma_wait3A_32 = arith.constant 0 : i32
        %dma_wait3A_33 = tpu.memref_slice %arg9[%dma_wait3A_31, %dma_wait3A_32] : memref<10112x16xf32, #tpu.memory_space<vmem_shared>> -> memref<10112x16xf32, #tpu.memory_space<vmem_shared>>
        tpu.wait_indirect_dma semaphore(%run_scoped3A : memref<!tpu.dma_semaphore, #tpu.memory_space<semaphore_mem>>) src(%arg8 : memref<128x16xf32, #tpu.memory_space<vmem>>) dst(%dma_wait3A_33 : memref<10112x16xf32, #tpu.memory_space<vmem_shared>>)
        tpu.yield
      }) : () -> ()
    }
    %scan3A_10 = arith.constant 40 : i32
    %barrier3A_11 = arith.constant 0 : index
    tpu.barrier barrier_id(%barrier3A_11)
    %eq3A = arith.constant 0 : i32
    %eq3A_12 = arith.cmpi eq, %arg0, %eq3A : i32
    %convert_element_type3A = arith.extui %eq3A_12 : i1 to i32
    %cond3A = arith.constant 0 : i32
    %cond3A_13 = arith.cmpi ne, %convert_element_type3A, %cond3A : i32
    scf.if %cond3A_13 {
      %mul3A_19 = arith.constant 632 : i32
      %mul3A_20 = arith.muli %arg1, %mul3A_19 : i32
      %mul3A_21 = arith.constant 632 : i32
      %mul3A_22 = arith.muli %arg1, %mul3A_21 : i32
      "tpu.region"() ({
        %run_scoped3A = tpu.sem_alloc : memref<!tpu.dma_semaphore, #tpu.memory_space<semaphore_mem>>
        %dma_start3A = arith.constant 0 : i32
        %dma_start3A_23 = tpu.memref_slice %arg5[%mul3A_22, %dma_start3A] : memref<10112x16xf32, #tpu.memory_space<hbm>> -> memref<632x16xf32, #tpu.memory_space<hbm>>
        %dma_start3A_24 = arith.constant 0 : i32
        %dma_start3A_25 = tpu.memref_slice %arg9[%mul3A_20, %dma_start3A_24] : memref<10112x16xf32, #tpu.memory_space<vmem_shared>> -> memref<632x16xf32, #tpu.memory_space<vmem_shared>>
        tpu.enqueue_dma source(%dma_start3A_25 : memref<632x16xf32, #tpu.memory_space<vmem_shared>>) target(%dma_start3A_23 : memref<632x16xf32, #tpu.memory_space<hbm>>) target_semaphore(%run_scoped3A : memref<!tpu.dma_semaphore, #tpu.memory_space<semaphore_mem>>)
        %dma_wait3A = arith.constant 0 : i32
        %dma_wait3A_26 = tpu.memref_slice %arg5[%mul3A_22, %dma_wait3A] : memref<10112x16xf32, #tpu.memory_space<hbm>> -> memref<632x16xf32, #tpu.memory_space<hbm>>
        %dma_wait3A_27 = arith.constant 0 : i32
        %dma_wait3A_28 = tpu.memref_slice %arg9[%mul3A_20, %dma_wait3A_27] : memref<10112x16xf32, #tpu.memory_space<vmem_shared>> -> memref<632x16xf32, #tpu.memory_space<vmem_shared>>
        tpu.wait_dma2 semaphore(%run_scoped3A : memref<!tpu.dma_semaphore, #tpu.memory_space<semaphore_mem>>) src(%dma_wait3A_28 : memref<632x16xf32, #tpu.memory_space<vmem_shared>>) dst(%dma_wait3A_26 : memref<632x16xf32, #tpu.memory_space<hbm>>)
        tpu.yield
      }) : () -> ()
    } else {
    }
    %eq3A_14 = arith.constant 1 : i32
    %eq3A_15 = arith.cmpi eq, %arg0, %eq3A_14 : i32
    %convert_element_type3A_16 = arith.extui %eq3A_15 : i1 to i32
    %cond3A_17 = arith.constant 0 : i32
    %cond3A_18 = arith.cmpi ne, %convert_element_type3A_16, %cond3A_17 : i32
    scf.if %cond3A_18 {
      %mul3A_19 = arith.constant 632 : i32
      %mul3A_20 = arith.muli %arg1, %mul3A_19 : i32
      %mul3A_21 = arith.constant 632 : i32
      %mul3A_22 = arith.muli %arg1, %mul3A_21 : i32
      "tpu.region"() ({
        %run_scoped3A = tpu.sem_alloc : memref<!tpu.dma_semaphore, #tpu.memory_space<semaphore_mem>>
        %dma_start3A = arith.constant 0 : i32
        %dma_start3A_23 = tpu.memref_slice %arg6[%mul3A_22, %dma_start3A] : memref<10112x16xf32, #tpu.memory_space<hbm>> -> memref<632x16xf32, #tpu.memory_space<hbm>>
        %dma_start3A_24 = arith.constant 0 : i32
        %dma_start3A_25 = tpu.memref_slice %arg9[%mul3A_20, %dma_start3A_24] : memref<10112x16xf32, #tpu.memory_space<vmem_shared>> -> memref<632x16xf32, #tpu.memory_space<vmem_shared>>
        tpu.enqueue_dma source(%dma_start3A_25 : memref<632x16xf32, #tpu.memory_space<vmem_shared>>) target(%dma_start3A_23 : memref<632x16xf32, #tpu.memory_space<hbm>>) target_semaphore(%run_scoped3A : memref<!tpu.dma_semaphore, #tpu.memory_space<semaphore_mem>>)
        %dma_wait3A = arith.constant 0 : i32
        %dma_wait3A_26 = tpu.memref_slice %arg6[%mul3A_22, %dma_wait3A] : memref<10112x16xf32, #tpu.memory_space<hbm>> -> memref<632x16xf32, #tpu.memory_space<hbm>>
        %dma_wait3A_27 = arith.constant 0 : i32
        %dma_wait3A_28 = tpu.memref_slice %arg9[%mul3A_20, %dma_wait3A_27] : memref<10112x16xf32, #tpu.memory_space<vmem_shared>> -> memref<632x16xf32, #tpu.memory_space<vmem_shared>>
        tpu.wait_dma2 semaphore(%run_scoped3A : memref<!tpu.dma_semaphore, #tpu.memory_space<semaphore_mem>>) src(%dma_wait3A_28 : memref<632x16xf32, #tpu.memory_space<vmem_shared>>) dst(%dma_wait3A_26 : memref<632x16xf32, #tpu.memory_space<hbm>>)
        tpu.yield
      }) : () -> ()
    } else {
    }
    return
  }
}

#map = affine_map<(d0, d1) -> (0, 0)>
module attributes {stable_mosaic.version = 14 : i64} {
  func.func @agg_kernel(%arg0: i32, %arg1: i32, %arg2: memref<10000x128xf32, #tpu.memory_space<hbm>>, %arg3: memref<10000x128xf32, #tpu.memory_space<hbm>>, %arg4: memref<1280x128xi32, #tpu.memory_space<hbm>>, %arg5: memref<1280x128xi32, #tpu.memory_space<hbm>>, %arg6: memref<10000x128xf32, #tpu.memory_space<hbm>>, %arg7: memref<10000x128xf32, #tpu.memory_space<hbm>>, %arg8: memref<40x128xi32, #tpu.memory_space<vmem>>, %arg9: memref<40x128xi32, #tpu.memory_space<vmem>>, %arg10: memref<128x128xf32, #tpu.memory_space<vmem>>, %arg11: memref<128x128xf32, #tpu.memory_space<vmem>>, %arg12: memref<10016x128xf32, #tpu.memory_space<vmem_shared>>, %arg13: memref<!tpu.dma_semaphore, #tpu.memory_space<semaphore_mem>>, %arg14: memref<!tpu.dma_semaphore, #tpu.memory_space<semaphore_mem>>) attributes {dimension_semantics = [#tpu.dimension_semantics<core_parallel>, #tpu.dimension_semantics<subcore_parallel>], iteration_bounds = array<i64: 2, 16>, scalar_prefetch = 0 : i64, scratch_operands = 7 : i64, tpu.core_type = #tpu.core_type<sc_vector_subcore>, window_params = [{transform_indices = #map}, {transform_indices = #map}, {transform_indices = #map}, {transform_indices = #map}, {transform_indices = #map}, {transform_indices = #map}]} {
    %eq3A = arith.constant 0 : i32
    %eq3A_0 = arith.cmpi eq, %arg0, %eq3A : i32
    %convert_element_type3A = arith.extui %eq3A_0 : i1 to i32
    %cond3A = arith.constant 0 : i32
    %cond3A_1 = arith.cmpi ne, %convert_element_type3A, %cond3A : i32
    scf.if %cond3A_1 {
      %mul3A = arith.constant 624 : i32
      %mul3A_7 = arith.muli %arg1, %mul3A : i32
      %mul3A_8 = arith.constant 624 : i32
      %mul3A_9 = arith.muli %arg1, %mul3A_8 : i32
      "tpu.region"() ({
        %run_scoped3A = tpu.sem_alloc : memref<!tpu.dma_semaphore, #tpu.memory_space<semaphore_mem>>
        %dma_start3A = arith.constant 0 : i32
        %dma_start3A_29 = tpu.memref_slice %arg12[%mul3A_9, %dma_start3A] : memref<10016x128xf32, #tpu.memory_space<vmem_shared>> -> memref<624x128xf32, #tpu.memory_space<vmem_shared>>
        %dma_start3A_30 = arith.constant 0 : i32
        %dma_start3A_31 = tpu.memref_slice %arg2[%mul3A_7, %dma_start3A_30] : memref<10000x128xf32, #tpu.memory_space<hbm>> -> memref<624x128xf32, #tpu.memory_space<hbm>>
        tpu.enqueue_dma source(%dma_start3A_31 : memref<624x128xf32, #tpu.memory_space<hbm>>) target(%dma_start3A_29 : memref<624x128xf32, #tpu.memory_space<vmem_shared>>) target_semaphore(%run_scoped3A : memref<!tpu.dma_semaphore, #tpu.memory_space<semaphore_mem>>)
        %dma_wait3A = arith.constant 0 : i32
        %dma_wait3A_32 = tpu.memref_slice %arg12[%mul3A_9, %dma_wait3A] : memref<10016x128xf32, #tpu.memory_space<vmem_shared>> -> memref<624x128xf32, #tpu.memory_space<vmem_shared>>
        %dma_wait3A_33 = arith.constant 0 : i32
        %dma_wait3A_34 = tpu.memref_slice %arg2[%mul3A_7, %dma_wait3A_33] : memref<10000x128xf32, #tpu.memory_space<hbm>> -> memref<624x128xf32, #tpu.memory_space<hbm>>
        tpu.wait_dma2 semaphore(%run_scoped3A : memref<!tpu.dma_semaphore, #tpu.memory_space<semaphore_mem>>) src(%dma_wait3A_34 : memref<624x128xf32, #tpu.memory_space<hbm>>) dst(%dma_wait3A_32 : memref<624x128xf32, #tpu.memory_space<vmem_shared>>)
        tpu.yield
      }) : () -> ()
      %eq3A_10 = arith.constant 0 : i32
      %eq3A_11 = arith.cmpi eq, %arg1, %eq3A_10 : i32
      %convert_element_type3A_12 = arith.extui %eq3A_11 : i1 to i32
      %cond3A_13 = arith.constant 0 : i32
      %cond3A_14 = arith.cmpi ne, %convert_element_type3A_12, %cond3A_13 : i32
      scf.if %cond3A_14 {
        "tpu.region"() ({
          %run_scoped3A = tpu.sem_alloc : memref<!tpu.dma_semaphore, #tpu.memory_space<semaphore_mem>>
          %dma_start3A = arith.constant 9984 : i32
          %dma_start3A_29 = arith.constant 0 : i32
          %dma_start3A_30 = tpu.memref_slice %arg12[%dma_start3A, %dma_start3A_29] : memref<10016x128xf32, #tpu.memory_space<vmem_shared>> -> memref<16x128xf32, #tpu.memory_space<vmem_shared>>
          %dma_start3A_31 = arith.constant 9984 : i32
          %dma_start3A_32 = arith.constant 0 : i32
          %dma_start3A_33 = tpu.memref_slice %arg2[%dma_start3A_31, %dma_start3A_32] : memref<10000x128xf32, #tpu.memory_space<hbm>> -> memref<16x128xf32, #tpu.memory_space<hbm>>
          tpu.enqueue_dma source(%dma_start3A_33 : memref<16x128xf32, #tpu.memory_space<hbm>>) target(%dma_start3A_30 : memref<16x128xf32, #tpu.memory_space<vmem_shared>>) target_semaphore(%run_scoped3A : memref<!tpu.dma_semaphore, #tpu.memory_space<semaphore_mem>>)
          %dma_wait3A = arith.constant 9984 : i32
          %dma_wait3A_34 = arith.constant 0 : i32
          %dma_wait3A_35 = tpu.memref_slice %arg12[%dma_wait3A, %dma_wait3A_34] : memref<10016x128xf32, #tpu.memory_space<vmem_shared>> -> memref<16x128xf32, #tpu.memory_space<vmem_shared>>
          %dma_wait3A_36 = arith.constant 9984 : i32
          %dma_wait3A_37 = arith.constant 0 : i32
          %dma_wait3A_38 = tpu.memref_slice %arg2[%dma_wait3A_36, %dma_wait3A_37] : memref<10000x128xf32, #tpu.memory_space<hbm>> -> memref<16x128xf32, #tpu.memory_space<hbm>>
          tpu.wait_dma2 semaphore(%run_scoped3A : memref<!tpu.dma_semaphore, #tpu.memory_space<semaphore_mem>>) src(%dma_wait3A_38 : memref<16x128xf32, #tpu.memory_space<hbm>>) dst(%dma_wait3A_35 : memref<16x128xf32, #tpu.memory_space<vmem_shared>>)
          tpu.yield
        }) : () -> ()
      } else {
      }
      %barrier3A = arith.constant 0 : index
      tpu.barrier barrier_id(%barrier3A)
      %scan3A = arith.constant 0 : i32
      %scan3A_15 = arith.constant 2 : i32
      %scan3A_16 = arith.addi %scan3A, %scan3A_15 : i32
      %scan3A_17 = arith.constant 1 : i32
      scf.for %scan3A_29 = %scan3A to %scan3A_16 step %scan3A_17  : i32 {
        %mul3A_30 = arith.constant 1 : i32
        %mul3A_31 = arith.muli %scan3A_29, %mul3A_30 : i32
        %add3A = arith.constant 0 : i32
        %add3A_32 = arith.addi %add3A, %mul3A_31 : i32
        %mul3A_33 = arith.constant 80 : i32
        %mul3A_34 = arith.muli %arg1, %mul3A_33 : i32
        %mul3A_35 = arith.constant 40 : i32
        %mul3A_36 = arith.muli %add3A_32, %mul3A_35 : i32
        %add3A_37 = arith.addi %mul3A_34, %mul3A_36 : i32
        "tpu.region"() ({
          %run_scoped3A = tpu.sem_alloc : memref<!tpu.dma_semaphore, #tpu.memory_space<semaphore_mem>>
          %dma_start3A_49 = arith.constant 0 : i32
          %dma_start3A_50 = tpu.memref_slice %arg4[%add3A_37, %dma_start3A_49] : memref<1280x128xi32, #tpu.memory_space<hbm>> -> memref<40x128xi32, #tpu.memory_space<hbm>>
          %dma_start3A_51 = arith.constant 0 : i32
          %dma_start3A_52 = tpu.memref_slice %arg4[%add3A_37, %dma_start3A_51] : memref<1280x128xi32, #tpu.memory_space<hbm>> -> memref<40x128xi32, #tpu.memory_space<hbm>>
          tpu.enqueue_dma source(%dma_start3A_52 : memref<40x128xi32, #tpu.memory_space<hbm>>) target(%arg8 : memref<40x128xi32, #tpu.memory_space<vmem>>) target_semaphore(%run_scoped3A : memref<!tpu.dma_semaphore, #tpu.memory_space<semaphore_mem>>)
          %dma_wait3A = arith.constant 0 : i32
          %dma_wait3A_53 = tpu.memref_slice %arg4[%add3A_37, %dma_wait3A] : memref<1280x128xi32, #tpu.memory_space<hbm>> -> memref<40x128xi32, #tpu.memory_space<hbm>>
          %dma_wait3A_54 = arith.constant 0 : i32
          %dma_wait3A_55 = tpu.memref_slice %arg4[%add3A_37, %dma_wait3A_54] : memref<1280x128xi32, #tpu.memory_space<hbm>> -> memref<40x128xi32, #tpu.memory_space<hbm>>
          tpu.wait_dma2 semaphore(%run_scoped3A : memref<!tpu.dma_semaphore, #tpu.memory_space<semaphore_mem>>) src(%dma_wait3A_55 : memref<40x128xi32, #tpu.memory_space<hbm>>) dst(%arg8 : memref<40x128xi32, #tpu.memory_space<vmem>>)
          tpu.yield
        }) : () -> ()
        "tpu.region"() ({
          %run_scoped3A = tpu.sem_alloc : memref<!tpu.dma_semaphore, #tpu.memory_space<semaphore_mem>>
          %dma_start3A_49 = arith.constant 0 : i32
          %dma_start3A_50 = tpu.memref_slice %arg5[%add3A_37, %dma_start3A_49] : memref<1280x128xi32, #tpu.memory_space<hbm>> -> memref<40x128xi32, #tpu.memory_space<hbm>>
          %dma_start3A_51 = arith.constant 0 : i32
          %dma_start3A_52 = tpu.memref_slice %arg5[%add3A_37, %dma_start3A_51] : memref<1280x128xi32, #tpu.memory_space<hbm>> -> memref<40x128xi32, #tpu.memory_space<hbm>>
          tpu.enqueue_dma source(%dma_start3A_52 : memref<40x128xi32, #tpu.memory_space<hbm>>) target(%arg9 : memref<40x128xi32, #tpu.memory_space<vmem>>) target_semaphore(%run_scoped3A : memref<!tpu.dma_semaphore, #tpu.memory_space<semaphore_mem>>)
          %dma_wait3A = arith.constant 0 : i32
          %dma_wait3A_53 = tpu.memref_slice %arg5[%add3A_37, %dma_wait3A] : memref<1280x128xi32, #tpu.memory_space<hbm>> -> memref<40x128xi32, #tpu.memory_space<hbm>>
          %dma_wait3A_54 = arith.constant 0 : i32
          %dma_wait3A_55 = tpu.memref_slice %arg5[%add3A_37, %dma_wait3A_54] : memref<1280x128xi32, #tpu.memory_space<hbm>> -> memref<40x128xi32, #tpu.memory_space<hbm>>
          tpu.wait_dma2 semaphore(%run_scoped3A : memref<!tpu.dma_semaphore, #tpu.memory_space<semaphore_mem>>) src(%dma_wait3A_55 : memref<40x128xi32, #tpu.memory_space<hbm>>) dst(%arg9 : memref<40x128xi32, #tpu.memory_space<vmem>>)
          tpu.yield
        }) : () -> ()
        %dma_start3A = arith.constant 0 : i32
        %dma_start3A_38 = arith.constant 0 : i32
        %dma_start3A_39 = tpu.memref_slice %arg8[%dma_start3A, %dma_start3A_38] : memref<40x128xi32, #tpu.memory_space<vmem>> -> memref<1x128xi32, #tpu.memory_space<vmem>>
        %dma_start3A_40 = tpu.memref_squeeze %dma_start3A_39 : memref<1x128xi32, #tpu.memory_space<vmem>> -> memref<128xi32, #tpu.memory_space<vmem>>
        %dma_start3A_41 = arith.constant 0 : i32
        %dma_start3A_42 = arith.constant 0 : i32
        %dma_start3A_43 = tpu.memref_slice %arg2[%dma_start3A_41, %dma_start3A_42] : memref<10000x128xf32, #tpu.memory_space<hbm>> -> memref<10000x128xf32, #tpu.memory_space<hbm>>
        tpu.enqueue_indirect_dma source(%dma_start3A_43 : memref<10000x128xf32, #tpu.memory_space<hbm>>) target(%arg10 : memref<128x128xf32, #tpu.memory_space<vmem>>) offsets(%dma_start3A_40 : memref<128xi32, #tpu.memory_space<vmem>>) semaphore(%arg13 : memref<!tpu.dma_semaphore, #tpu.memory_space<semaphore_mem>>)
        %scan3A_44 = arith.constant 0 : i32
        %scan3A_45 = arith.constant 20 : i32
        %scan3A_46 = arith.addi %scan3A_44, %scan3A_45 : i32
        %scan3A_47 = arith.constant 1 : i32
        scf.for %scan3A_49 = %scan3A_44 to %scan3A_46 step %scan3A_47  : i32 {
          %mul3A_50 = arith.constant 2 : i32
          %mul3A_51 = arith.muli %scan3A_49, %mul3A_50 : i32
          %add3A_52 = arith.constant 0 : i32
          %add3A_53 = arith.addi %add3A_52, %mul3A_51 : i32
          %add3A_54 = arith.constant 1 : i32
          %add3A_55 = arith.addi %add3A_53, %add3A_54 : i32
          %dma_start3A_56 = arith.constant 0 : i32
          %dma_start3A_57 = tpu.memref_slice %arg8[%add3A_55, %dma_start3A_56] : memref<40x128xi32, #tpu.memory_space<vmem>> -> memref<1x128xi32, #tpu.memory_space<vmem>>
          %dma_start3A_58 = tpu.memref_squeeze %dma_start3A_57 : memref<1x128xi32, #tpu.memory_space<vmem>> -> memref<128xi32, #tpu.memory_space<vmem>>
          %dma_start3A_59 = arith.constant 0 : i32
          %dma_start3A_60 = arith.constant 0 : i32
          %dma_start3A_61 = tpu.memref_slice %arg2[%dma_start3A_59, %dma_start3A_60] : memref<10000x128xf32, #tpu.memory_space<hbm>> -> memref<10000x128xf32, #tpu.memory_space<hbm>>
          tpu.enqueue_indirect_dma source(%dma_start3A_61 : memref<10000x128xf32, #tpu.memory_space<hbm>>) target(%arg11 : memref<128x128xf32, #tpu.memory_space<vmem>>) offsets(%dma_start3A_58 : memref<128xi32, #tpu.memory_space<vmem>>) semaphore(%arg14 : memref<!tpu.dma_semaphore, #tpu.memory_space<semaphore_mem>>)
          %dma_wait3A = arith.constant 0 : i32
          %dma_wait3A_62 = arith.constant 0 : i32
          %dma_wait3A_63 = tpu.memref_slice %arg2[%dma_wait3A, %dma_wait3A_62] : memref<10000x128xf32, #tpu.memory_space<hbm>> -> memref<128x128xf32, #tpu.memory_space<hbm>>
          %dma_wait3A_64 = arith.constant 0 : i32
          %dma_wait3A_65 = arith.constant 0 : i32
          %dma_wait3A_66 = tpu.memref_slice %arg2[%dma_wait3A_64, %dma_wait3A_65] : memref<10000x128xf32, #tpu.memory_space<hbm>> -> memref<128x128xf32, #tpu.memory_space<hbm>>
          tpu.wait_dma2 semaphore(%arg13 : memref<!tpu.dma_semaphore, #tpu.memory_space<semaphore_mem>>) src(%dma_wait3A_66 : memref<128x128xf32, #tpu.memory_space<hbm>>) dst(%arg10 : memref<128x128xf32, #tpu.memory_space<vmem>>)
          "tpu.region"() ({
            %run_scoped3A = tpu.sem_alloc : memref<!tpu.dma_semaphore, #tpu.memory_space<semaphore_mem>>
            %dma_start3A_81 = arith.constant 0 : i32
            %dma_start3A_82 = tpu.memref_slice %arg9[%add3A_53, %dma_start3A_81] : memref<40x128xi32, #tpu.memory_space<vmem>> -> memref<1x128xi32, #tpu.memory_space<vmem>>
            %dma_start3A_83 = tpu.memref_squeeze %dma_start3A_82 : memref<1x128xi32, #tpu.memory_space<vmem>> -> memref<128xi32, #tpu.memory_space<vmem>>
            %dma_start3A_84 = arith.constant 0 : i32
            %dma_start3A_85 = arith.constant 0 : i32
            %dma_start3A_86 = tpu.memref_slice %arg12[%dma_start3A_84, %dma_start3A_85] : memref<10016x128xf32, #tpu.memory_space<vmem_shared>> -> memref<10016x128xf32, #tpu.memory_space<vmem_shared>>
            tpu.enqueue_indirect_dma source(%arg10 : memref<128x128xf32, #tpu.memory_space<vmem>>) target(%dma_start3A_86 : memref<10016x128xf32, #tpu.memory_space<vmem_shared>>) offsets(%dma_start3A_83 : memref<128xi32, #tpu.memory_space<vmem>>) semaphore(%run_scoped3A : memref<!tpu.dma_semaphore, #tpu.memory_space<semaphore_mem>>) {add = true}
            %dma_wait3A_87 = arith.constant 0 : i32
            %dma_wait3A_88 = tpu.memref_slice %arg9[%add3A_53, %dma_wait3A_87] : memref<40x128xi32, #tpu.memory_space<vmem>> -> memref<1x128xi32, #tpu.memory_space<vmem>>
            %dma_wait3A_89 = tpu.memref_squeeze %dma_wait3A_88 : memref<1x128xi32, #tpu.memory_space<vmem>> -> memref<128xi32, #tpu.memory_space<vmem>>
            %dma_wait3A_90 = arith.constant 0 : i32
            %dma_wait3A_91 = arith.constant 0 : i32
            %dma_wait3A_92 = tpu.memref_slice %arg12[%dma_wait3A_90, %dma_wait3A_91] : memref<10016x128xf32, #tpu.memory_space<vmem_shared>> -> memref<10016x128xf32, #tpu.memory_space<vmem_shared>>
            tpu.wait_indirect_dma semaphore(%run_scoped3A : memref<!tpu.dma_semaphore, #tpu.memory_space<semaphore_mem>>) src(%arg10 : memref<128x128xf32, #tpu.memory_space<vmem>>) dst(%dma_wait3A_92 : memref<10016x128xf32, #tpu.memory_space<vmem_shared>>)
            tpu.yield
          }) : () -> ()
          %add3A_67 = arith.constant 2 : i32
          %add3A_68 = arith.addi %add3A_53, %add3A_67 : i32
          %lt3A = arith.constant 40 : i32
          %lt3A_69 = arith.cmpi slt, %add3A_68, %lt3A : i32
          %convert_element_type3A_70 = arith.extui %lt3A_69 : i1 to i32
          %cond3A_71 = arith.constant 0 : i32
          %cond3A_72 = arith.cmpi ne, %convert_element_type3A_70, %cond3A_71 : i32
          scf.if %cond3A_72 {
            %add3A_81 = arith.constant 2 : i32
            %add3A_82 = arith.addi %add3A_53, %add3A_81 : i32
            %dma_start3A_83 = arith.constant 0 : i32
            %dma_start3A_84 = tpu.memref_slice %arg8[%add3A_82, %dma_start3A_83] : memref<40x128xi32, #tpu.memory_space<vmem>> -> memref<1x128xi32, #tpu.memory_space<vmem>>
            %dma_start3A_85 = tpu.memref_squeeze %dma_start3A_84 : memref<1x128xi32, #tpu.memory_space<vmem>> -> memref<128xi32, #tpu.memory_space<vmem>>
            %dma_start3A_86 = arith.constant 0 : i32
            %dma_start3A_87 = arith.constant 0 : i32
            %dma_start3A_88 = tpu.memref_slice %arg2[%dma_start3A_86, %dma_start3A_87] : memref<10000x128xf32, #tpu.memory_space<hbm>> -> memref<10000x128xf32, #tpu.memory_space<hbm>>
            tpu.enqueue_indirect_dma source(%dma_start3A_88 : memref<10000x128xf32, #tpu.memory_space<hbm>>) target(%arg10 : memref<128x128xf32, #tpu.memory_space<vmem>>) offsets(%dma_start3A_85 : memref<128xi32, #tpu.memory_space<vmem>>) semaphore(%arg13 : memref<!tpu.dma_semaphore, #tpu.memory_space<semaphore_mem>>)
          } else {
          }
          %dma_wait3A_73 = arith.constant 0 : i32
          %dma_wait3A_74 = arith.constant 0 : i32
          %dma_wait3A_75 = tpu.memref_slice %arg2[%dma_wait3A_73, %dma_wait3A_74] : memref<10000x128xf32, #tpu.memory_space<hbm>> -> memref<128x128xf32, #tpu.memory_space<hbm>>
          %dma_wait3A_76 = arith.constant 0 : i32
          %dma_wait3A_77 = arith.constant 0 : i32
          %dma_wait3A_78 = tpu.memref_slice %arg2[%dma_wait3A_76, %dma_wait3A_77] : memref<10000x128xf32, #tpu.memory_space<hbm>> -> memref<128x128xf32, #tpu.memory_space<hbm>>
          tpu.wait_dma2 semaphore(%arg14 : memref<!tpu.dma_semaphore, #tpu.memory_space<semaphore_mem>>) src(%dma_wait3A_78 : memref<128x128xf32, #tpu.memory_space<hbm>>) dst(%arg11 : memref<128x128xf32, #tpu.memory_space<vmem>>)
          %add3A_79 = arith.constant 1 : i32
          %add3A_80 = arith.addi %add3A_53, %add3A_79 : i32
          "tpu.region"() ({
            %run_scoped3A = tpu.sem_alloc : memref<!tpu.dma_semaphore, #tpu.memory_space<semaphore_mem>>
            %dma_start3A_81 = arith.constant 0 : i32
            %dma_start3A_82 = tpu.memref_slice %arg9[%add3A_80, %dma_start3A_81] : memref<40x128xi32, #tpu.memory_space<vmem>> -> memref<1x128xi32, #tpu.memory_space<vmem>>
            %dma_start3A_83 = tpu.memref_squeeze %dma_start3A_82 : memref<1x128xi32, #tpu.memory_space<vmem>> -> memref<128xi32, #tpu.memory_space<vmem>>
            %dma_start3A_84 = arith.constant 0 : i32
            %dma_start3A_85 = arith.constant 0 : i32
            %dma_start3A_86 = tpu.memref_slice %arg12[%dma_start3A_84, %dma_start3A_85] : memref<10016x128xf32, #tpu.memory_space<vmem_shared>> -> memref<10016x128xf32, #tpu.memory_space<vmem_shared>>
            tpu.enqueue_indirect_dma source(%arg11 : memref<128x128xf32, #tpu.memory_space<vmem>>) target(%dma_start3A_86 : memref<10016x128xf32, #tpu.memory_space<vmem_shared>>) offsets(%dma_start3A_83 : memref<128xi32, #tpu.memory_space<vmem>>) semaphore(%run_scoped3A : memref<!tpu.dma_semaphore, #tpu.memory_space<semaphore_mem>>) {add = true}
            %dma_wait3A_87 = arith.constant 0 : i32
            %dma_wait3A_88 = tpu.memref_slice %arg9[%add3A_80, %dma_wait3A_87] : memref<40x128xi32, #tpu.memory_space<vmem>> -> memref<1x128xi32, #tpu.memory_space<vmem>>
            %dma_wait3A_89 = tpu.memref_squeeze %dma_wait3A_88 : memref<1x128xi32, #tpu.memory_space<vmem>> -> memref<128xi32, #tpu.memory_space<vmem>>
            %dma_wait3A_90 = arith.constant 0 : i32
            %dma_wait3A_91 = arith.constant 0 : i32
            %dma_wait3A_92 = tpu.memref_slice %arg12[%dma_wait3A_90, %dma_wait3A_91] : memref<10016x128xf32, #tpu.memory_space<vmem_shared>> -> memref<10016x128xf32, #tpu.memory_space<vmem_shared>>
            tpu.wait_indirect_dma semaphore(%run_scoped3A : memref<!tpu.dma_semaphore, #tpu.memory_space<semaphore_mem>>) src(%arg11 : memref<128x128xf32, #tpu.memory_space<vmem>>) dst(%dma_wait3A_92 : memref<10016x128xf32, #tpu.memory_space<vmem_shared>>)
            tpu.yield
          }) : () -> ()
        }
        %scan3A_48 = arith.constant 20 : i32
      }
      %scan3A_18 = arith.constant 2 : i32
      %barrier3A_19 = arith.constant 0 : index
      tpu.barrier barrier_id(%barrier3A_19)
      %mul3A_20 = arith.constant 624 : i32
      %mul3A_21 = arith.muli %arg1, %mul3A_20 : i32
      %mul3A_22 = arith.constant 624 : i32
      %mul3A_23 = arith.muli %arg1, %mul3A_22 : i32
      "tpu.region"() ({
        %run_scoped3A = tpu.sem_alloc : memref<!tpu.dma_semaphore, #tpu.memory_space<semaphore_mem>>
        %dma_start3A = arith.constant 0 : i32
        %dma_start3A_29 = tpu.memref_slice %arg6[%mul3A_23, %dma_start3A] : memref<10000x128xf32, #tpu.memory_space<hbm>> -> memref<624x128xf32, #tpu.memory_space<hbm>>
        %dma_start3A_30 = arith.constant 0 : i32
        %dma_start3A_31 = tpu.memref_slice %arg12[%mul3A_21, %dma_start3A_30] : memref<10016x128xf32, #tpu.memory_space<vmem_shared>> -> memref<624x128xf32, #tpu.memory_space<vmem_shared>>
        tpu.enqueue_dma source(%dma_start3A_31 : memref<624x128xf32, #tpu.memory_space<vmem_shared>>) target(%dma_start3A_29 : memref<624x128xf32, #tpu.memory_space<hbm>>) target_semaphore(%run_scoped3A : memref<!tpu.dma_semaphore, #tpu.memory_space<semaphore_mem>>)
        %dma_wait3A = arith.constant 0 : i32
        %dma_wait3A_32 = tpu.memref_slice %arg6[%mul3A_23, %dma_wait3A] : memref<10000x128xf32, #tpu.memory_space<hbm>> -> memref<624x128xf32, #tpu.memory_space<hbm>>
        %dma_wait3A_33 = arith.constant 0 : i32
        %dma_wait3A_34 = tpu.memref_slice %arg12[%mul3A_21, %dma_wait3A_33] : memref<10016x128xf32, #tpu.memory_space<vmem_shared>> -> memref<624x128xf32, #tpu.memory_space<vmem_shared>>
        tpu.wait_dma2 semaphore(%run_scoped3A : memref<!tpu.dma_semaphore, #tpu.memory_space<semaphore_mem>>) src(%dma_wait3A_34 : memref<624x128xf32, #tpu.memory_space<vmem_shared>>) dst(%dma_wait3A_32 : memref<624x128xf32, #tpu.memory_space<hbm>>)
        tpu.yield
      }) : () -> ()
      %eq3A_24 = arith.constant 0 : i32
      %eq3A_25 = arith.cmpi eq, %arg1, %eq3A_24 : i32
      %convert_element_type3A_26 = arith.extui %eq3A_25 : i1 to i32
      %cond3A_27 = arith.constant 0 : i32
      %cond3A_28 = arith.cmpi ne, %convert_element_type3A_26, %cond3A_27 : i32
      scf.if %cond3A_28 {
        "tpu.region"() ({
          %run_scoped3A = tpu.sem_alloc : memref<!tpu.dma_semaphore, #tpu.memory_space<semaphore_mem>>
          %dma_start3A = arith.constant 9984 : i32
          %dma_start3A_29 = arith.constant 0 : i32
          %dma_start3A_30 = tpu.memref_slice %arg6[%dma_start3A, %dma_start3A_29] : memref<10000x128xf32, #tpu.memory_space<hbm>> -> memref<16x128xf32, #tpu.memory_space<hbm>>
          %dma_start3A_31 = arith.constant 9984 : i32
          %dma_start3A_32 = arith.constant 0 : i32
          %dma_start3A_33 = tpu.memref_slice %arg12[%dma_start3A_31, %dma_start3A_32] : memref<10016x128xf32, #tpu.memory_space<vmem_shared>> -> memref<16x128xf32, #tpu.memory_space<vmem_shared>>
          tpu.enqueue_dma source(%dma_start3A_33 : memref<16x128xf32, #tpu.memory_space<vmem_shared>>) target(%dma_start3A_30 : memref<16x128xf32, #tpu.memory_space<hbm>>) target_semaphore(%run_scoped3A : memref<!tpu.dma_semaphore, #tpu.memory_space<semaphore_mem>>)
          %dma_wait3A = arith.constant 9984 : i32
          %dma_wait3A_34 = arith.constant 0 : i32
          %dma_wait3A_35 = tpu.memref_slice %arg6[%dma_wait3A, %dma_wait3A_34] : memref<10000x128xf32, #tpu.memory_space<hbm>> -> memref<16x128xf32, #tpu.memory_space<hbm>>
          %dma_wait3A_36 = arith.constant 9984 : i32
          %dma_wait3A_37 = arith.constant 0 : i32
          %dma_wait3A_38 = tpu.memref_slice %arg12[%dma_wait3A_36, %dma_wait3A_37] : memref<10016x128xf32, #tpu.memory_space<vmem_shared>> -> memref<16x128xf32, #tpu.memory_space<vmem_shared>>
          tpu.wait_dma2 semaphore(%run_scoped3A : memref<!tpu.dma_semaphore, #tpu.memory_space<semaphore_mem>>) src(%dma_wait3A_38 : memref<16x128xf32, #tpu.memory_space<vmem_shared>>) dst(%dma_wait3A_35 : memref<16x128xf32, #tpu.memory_space<hbm>>)
          tpu.yield
        }) : () -> ()
      } else {
      }
    } else {
    }
    %eq3A_2 = arith.constant 1 : i32
    %eq3A_3 = arith.cmpi eq, %arg0, %eq3A_2 : i32
    %convert_element_type3A_4 = arith.extui %eq3A_3 : i1 to i32
    %cond3A_5 = arith.constant 0 : i32
    %cond3A_6 = arith.cmpi ne, %convert_element_type3A_4, %cond3A_5 : i32
    scf.if %cond3A_6 {
      %mul3A = arith.constant 624 : i32
      %mul3A_7 = arith.muli %arg1, %mul3A : i32
      %mul3A_8 = arith.constant 624 : i32
      %mul3A_9 = arith.muli %arg1, %mul3A_8 : i32
      "tpu.region"() ({
        %run_scoped3A = tpu.sem_alloc : memref<!tpu.dma_semaphore, #tpu.memory_space<semaphore_mem>>
        %dma_start3A = arith.constant 0 : i32
        %dma_start3A_29 = tpu.memref_slice %arg12[%mul3A_9, %dma_start3A] : memref<10016x128xf32, #tpu.memory_space<vmem_shared>> -> memref<624x128xf32, #tpu.memory_space<vmem_shared>>
        %dma_start3A_30 = arith.constant 0 : i32
        %dma_start3A_31 = tpu.memref_slice %arg3[%mul3A_7, %dma_start3A_30] : memref<10000x128xf32, #tpu.memory_space<hbm>> -> memref<624x128xf32, #tpu.memory_space<hbm>>
        tpu.enqueue_dma source(%dma_start3A_31 : memref<624x128xf32, #tpu.memory_space<hbm>>) target(%dma_start3A_29 : memref<624x128xf32, #tpu.memory_space<vmem_shared>>) target_semaphore(%run_scoped3A : memref<!tpu.dma_semaphore, #tpu.memory_space<semaphore_mem>>)
        %dma_wait3A = arith.constant 0 : i32
        %dma_wait3A_32 = tpu.memref_slice %arg12[%mul3A_9, %dma_wait3A] : memref<10016x128xf32, #tpu.memory_space<vmem_shared>> -> memref<624x128xf32, #tpu.memory_space<vmem_shared>>
        %dma_wait3A_33 = arith.constant 0 : i32
        %dma_wait3A_34 = tpu.memref_slice %arg3[%mul3A_7, %dma_wait3A_33] : memref<10000x128xf32, #tpu.memory_space<hbm>> -> memref<624x128xf32, #tpu.memory_space<hbm>>
        tpu.wait_dma2 semaphore(%run_scoped3A : memref<!tpu.dma_semaphore, #tpu.memory_space<semaphore_mem>>) src(%dma_wait3A_34 : memref<624x128xf32, #tpu.memory_space<hbm>>) dst(%dma_wait3A_32 : memref<624x128xf32, #tpu.memory_space<vmem_shared>>)
        tpu.yield
      }) : () -> ()
      %eq3A_10 = arith.constant 0 : i32
      %eq3A_11 = arith.cmpi eq, %arg1, %eq3A_10 : i32
      %convert_element_type3A_12 = arith.extui %eq3A_11 : i1 to i32
      %cond3A_13 = arith.constant 0 : i32
      %cond3A_14 = arith.cmpi ne, %convert_element_type3A_12, %cond3A_13 : i32
      scf.if %cond3A_14 {
        "tpu.region"() ({
          %run_scoped3A = tpu.sem_alloc : memref<!tpu.dma_semaphore, #tpu.memory_space<semaphore_mem>>
          %dma_start3A = arith.constant 9984 : i32
          %dma_start3A_29 = arith.constant 0 : i32
          %dma_start3A_30 = tpu.memref_slice %arg12[%dma_start3A, %dma_start3A_29] : memref<10016x128xf32, #tpu.memory_space<vmem_shared>> -> memref<16x128xf32, #tpu.memory_space<vmem_shared>>
          %dma_start3A_31 = arith.constant 9984 : i32
          %dma_start3A_32 = arith.constant 0 : i32
          %dma_start3A_33 = tpu.memref_slice %arg3[%dma_start3A_31, %dma_start3A_32] : memref<10000x128xf32, #tpu.memory_space<hbm>> -> memref<16x128xf32, #tpu.memory_space<hbm>>
          tpu.enqueue_dma source(%dma_start3A_33 : memref<16x128xf32, #tpu.memory_space<hbm>>) target(%dma_start3A_30 : memref<16x128xf32, #tpu.memory_space<vmem_shared>>) target_semaphore(%run_scoped3A : memref<!tpu.dma_semaphore, #tpu.memory_space<semaphore_mem>>)
          %dma_wait3A = arith.constant 9984 : i32
          %dma_wait3A_34 = arith.constant 0 : i32
          %dma_wait3A_35 = tpu.memref_slice %arg12[%dma_wait3A, %dma_wait3A_34] : memref<10016x128xf32, #tpu.memory_space<vmem_shared>> -> memref<16x128xf32, #tpu.memory_space<vmem_shared>>
          %dma_wait3A_36 = arith.constant 9984 : i32
          %dma_wait3A_37 = arith.constant 0 : i32
          %dma_wait3A_38 = tpu.memref_slice %arg3[%dma_wait3A_36, %dma_wait3A_37] : memref<10000x128xf32, #tpu.memory_space<hbm>> -> memref<16x128xf32, #tpu.memory_space<hbm>>
          tpu.wait_dma2 semaphore(%run_scoped3A : memref<!tpu.dma_semaphore, #tpu.memory_space<semaphore_mem>>) src(%dma_wait3A_38 : memref<16x128xf32, #tpu.memory_space<hbm>>) dst(%dma_wait3A_35 : memref<16x128xf32, #tpu.memory_space<vmem_shared>>)
          tpu.yield
        }) : () -> ()
      } else {
      }
      %barrier3A = arith.constant 0 : index
      tpu.barrier barrier_id(%barrier3A)
      %scan3A = arith.constant 0 : i32
      %scan3A_15 = arith.constant 2 : i32
      %scan3A_16 = arith.addi %scan3A, %scan3A_15 : i32
      %scan3A_17 = arith.constant 1 : i32
      scf.for %scan3A_29 = %scan3A to %scan3A_16 step %scan3A_17  : i32 {
        %mul3A_30 = arith.constant 1 : i32
        %mul3A_31 = arith.muli %scan3A_29, %mul3A_30 : i32
        %add3A = arith.constant 0 : i32
        %add3A_32 = arith.addi %add3A, %mul3A_31 : i32
        %mul3A_33 = arith.constant 80 : i32
        %mul3A_34 = arith.muli %arg1, %mul3A_33 : i32
        %mul3A_35 = arith.constant 40 : i32
        %mul3A_36 = arith.muli %add3A_32, %mul3A_35 : i32
        %add3A_37 = arith.addi %mul3A_34, %mul3A_36 : i32
        "tpu.region"() ({
          %run_scoped3A = tpu.sem_alloc : memref<!tpu.dma_semaphore, #tpu.memory_space<semaphore_mem>>
          %dma_start3A_49 = arith.constant 0 : i32
          %dma_start3A_50 = tpu.memref_slice %arg4[%add3A_37, %dma_start3A_49] : memref<1280x128xi32, #tpu.memory_space<hbm>> -> memref<40x128xi32, #tpu.memory_space<hbm>>
          %dma_start3A_51 = arith.constant 0 : i32
          %dma_start3A_52 = tpu.memref_slice %arg4[%add3A_37, %dma_start3A_51] : memref<1280x128xi32, #tpu.memory_space<hbm>> -> memref<40x128xi32, #tpu.memory_space<hbm>>
          tpu.enqueue_dma source(%dma_start3A_52 : memref<40x128xi32, #tpu.memory_space<hbm>>) target(%arg8 : memref<40x128xi32, #tpu.memory_space<vmem>>) target_semaphore(%run_scoped3A : memref<!tpu.dma_semaphore, #tpu.memory_space<semaphore_mem>>)
          %dma_wait3A = arith.constant 0 : i32
          %dma_wait3A_53 = tpu.memref_slice %arg4[%add3A_37, %dma_wait3A] : memref<1280x128xi32, #tpu.memory_space<hbm>> -> memref<40x128xi32, #tpu.memory_space<hbm>>
          %dma_wait3A_54 = arith.constant 0 : i32
          %dma_wait3A_55 = tpu.memref_slice %arg4[%add3A_37, %dma_wait3A_54] : memref<1280x128xi32, #tpu.memory_space<hbm>> -> memref<40x128xi32, #tpu.memory_space<hbm>>
          tpu.wait_dma2 semaphore(%run_scoped3A : memref<!tpu.dma_semaphore, #tpu.memory_space<semaphore_mem>>) src(%dma_wait3A_55 : memref<40x128xi32, #tpu.memory_space<hbm>>) dst(%arg8 : memref<40x128xi32, #tpu.memory_space<vmem>>)
          tpu.yield
        }) : () -> ()
        "tpu.region"() ({
          %run_scoped3A = tpu.sem_alloc : memref<!tpu.dma_semaphore, #tpu.memory_space<semaphore_mem>>
          %dma_start3A_49 = arith.constant 0 : i32
          %dma_start3A_50 = tpu.memref_slice %arg5[%add3A_37, %dma_start3A_49] : memref<1280x128xi32, #tpu.memory_space<hbm>> -> memref<40x128xi32, #tpu.memory_space<hbm>>
          %dma_start3A_51 = arith.constant 0 : i32
          %dma_start3A_52 = tpu.memref_slice %arg5[%add3A_37, %dma_start3A_51] : memref<1280x128xi32, #tpu.memory_space<hbm>> -> memref<40x128xi32, #tpu.memory_space<hbm>>
          tpu.enqueue_dma source(%dma_start3A_52 : memref<40x128xi32, #tpu.memory_space<hbm>>) target(%arg9 : memref<40x128xi32, #tpu.memory_space<vmem>>) target_semaphore(%run_scoped3A : memref<!tpu.dma_semaphore, #tpu.memory_space<semaphore_mem>>)
          %dma_wait3A = arith.constant 0 : i32
          %dma_wait3A_53 = tpu.memref_slice %arg5[%add3A_37, %dma_wait3A] : memref<1280x128xi32, #tpu.memory_space<hbm>> -> memref<40x128xi32, #tpu.memory_space<hbm>>
          %dma_wait3A_54 = arith.constant 0 : i32
          %dma_wait3A_55 = tpu.memref_slice %arg5[%add3A_37, %dma_wait3A_54] : memref<1280x128xi32, #tpu.memory_space<hbm>> -> memref<40x128xi32, #tpu.memory_space<hbm>>
          tpu.wait_dma2 semaphore(%run_scoped3A : memref<!tpu.dma_semaphore, #tpu.memory_space<semaphore_mem>>) src(%dma_wait3A_55 : memref<40x128xi32, #tpu.memory_space<hbm>>) dst(%arg9 : memref<40x128xi32, #tpu.memory_space<vmem>>)
          tpu.yield
        }) : () -> ()
        %dma_start3A = arith.constant 0 : i32
        %dma_start3A_38 = arith.constant 0 : i32
        %dma_start3A_39 = tpu.memref_slice %arg8[%dma_start3A, %dma_start3A_38] : memref<40x128xi32, #tpu.memory_space<vmem>> -> memref<1x128xi32, #tpu.memory_space<vmem>>
        %dma_start3A_40 = tpu.memref_squeeze %dma_start3A_39 : memref<1x128xi32, #tpu.memory_space<vmem>> -> memref<128xi32, #tpu.memory_space<vmem>>
        %dma_start3A_41 = arith.constant 0 : i32
        %dma_start3A_42 = arith.constant 0 : i32
        %dma_start3A_43 = tpu.memref_slice %arg3[%dma_start3A_41, %dma_start3A_42] : memref<10000x128xf32, #tpu.memory_space<hbm>> -> memref<10000x128xf32, #tpu.memory_space<hbm>>
        tpu.enqueue_indirect_dma source(%dma_start3A_43 : memref<10000x128xf32, #tpu.memory_space<hbm>>) target(%arg10 : memref<128x128xf32, #tpu.memory_space<vmem>>) offsets(%dma_start3A_40 : memref<128xi32, #tpu.memory_space<vmem>>) semaphore(%arg13 : memref<!tpu.dma_semaphore, #tpu.memory_space<semaphore_mem>>)
        %scan3A_44 = arith.constant 0 : i32
        %scan3A_45 = arith.constant 20 : i32
        %scan3A_46 = arith.addi %scan3A_44, %scan3A_45 : i32
        %scan3A_47 = arith.constant 1 : i32
        scf.for %scan3A_49 = %scan3A_44 to %scan3A_46 step %scan3A_47  : i32 {
          %mul3A_50 = arith.constant 2 : i32
          %mul3A_51 = arith.muli %scan3A_49, %mul3A_50 : i32
          %add3A_52 = arith.constant 0 : i32
          %add3A_53 = arith.addi %add3A_52, %mul3A_51 : i32
          %add3A_54 = arith.constant 1 : i32
          %add3A_55 = arith.addi %add3A_53, %add3A_54 : i32
          %dma_start3A_56 = arith.constant 0 : i32
          %dma_start3A_57 = tpu.memref_slice %arg8[%add3A_55, %dma_start3A_56] : memref<40x128xi32, #tpu.memory_space<vmem>> -> memref<1x128xi32, #tpu.memory_space<vmem>>
          %dma_start3A_58 = tpu.memref_squeeze %dma_start3A_57 : memref<1x128xi32, #tpu.memory_space<vmem>> -> memref<128xi32, #tpu.memory_space<vmem>>
          %dma_start3A_59 = arith.constant 0 : i32
          %dma_start3A_60 = arith.constant 0 : i32
          %dma_start3A_61 = tpu.memref_slice %arg3[%dma_start3A_59, %dma_start3A_60] : memref<10000x128xf32, #tpu.memory_space<hbm>> -> memref<10000x128xf32, #tpu.memory_space<hbm>>
          tpu.enqueue_indirect_dma source(%dma_start3A_61 : memref<10000x128xf32, #tpu.memory_space<hbm>>) target(%arg11 : memref<128x128xf32, #tpu.memory_space<vmem>>) offsets(%dma_start3A_58 : memref<128xi32, #tpu.memory_space<vmem>>) semaphore(%arg14 : memref<!tpu.dma_semaphore, #tpu.memory_space<semaphore_mem>>)
          %dma_wait3A = arith.constant 0 : i32
          %dma_wait3A_62 = arith.constant 0 : i32
          %dma_wait3A_63 = tpu.memref_slice %arg3[%dma_wait3A, %dma_wait3A_62] : memref<10000x128xf32, #tpu.memory_space<hbm>> -> memref<128x128xf32, #tpu.memory_space<hbm>>
          %dma_wait3A_64 = arith.constant 0 : i32
          %dma_wait3A_65 = arith.constant 0 : i32
          %dma_wait3A_66 = tpu.memref_slice %arg3[%dma_wait3A_64, %dma_wait3A_65] : memref<10000x128xf32, #tpu.memory_space<hbm>> -> memref<128x128xf32, #tpu.memory_space<hbm>>
          tpu.wait_dma2 semaphore(%arg13 : memref<!tpu.dma_semaphore, #tpu.memory_space<semaphore_mem>>) src(%dma_wait3A_66 : memref<128x128xf32, #tpu.memory_space<hbm>>) dst(%arg10 : memref<128x128xf32, #tpu.memory_space<vmem>>)
          "tpu.region"() ({
            %run_scoped3A = tpu.sem_alloc : memref<!tpu.dma_semaphore, #tpu.memory_space<semaphore_mem>>
            %dma_start3A_81 = arith.constant 0 : i32
            %dma_start3A_82 = tpu.memref_slice %arg9[%add3A_53, %dma_start3A_81] : memref<40x128xi32, #tpu.memory_space<vmem>> -> memref<1x128xi32, #tpu.memory_space<vmem>>
            %dma_start3A_83 = tpu.memref_squeeze %dma_start3A_82 : memref<1x128xi32, #tpu.memory_space<vmem>> -> memref<128xi32, #tpu.memory_space<vmem>>
            %dma_start3A_84 = arith.constant 0 : i32
            %dma_start3A_85 = arith.constant 0 : i32
            %dma_start3A_86 = tpu.memref_slice %arg12[%dma_start3A_84, %dma_start3A_85] : memref<10016x128xf32, #tpu.memory_space<vmem_shared>> -> memref<10016x128xf32, #tpu.memory_space<vmem_shared>>
            tpu.enqueue_indirect_dma source(%arg10 : memref<128x128xf32, #tpu.memory_space<vmem>>) target(%dma_start3A_86 : memref<10016x128xf32, #tpu.memory_space<vmem_shared>>) offsets(%dma_start3A_83 : memref<128xi32, #tpu.memory_space<vmem>>) semaphore(%run_scoped3A : memref<!tpu.dma_semaphore, #tpu.memory_space<semaphore_mem>>) {add = true}
            %dma_wait3A_87 = arith.constant 0 : i32
            %dma_wait3A_88 = tpu.memref_slice %arg9[%add3A_53, %dma_wait3A_87] : memref<40x128xi32, #tpu.memory_space<vmem>> -> memref<1x128xi32, #tpu.memory_space<vmem>>
            %dma_wait3A_89 = tpu.memref_squeeze %dma_wait3A_88 : memref<1x128xi32, #tpu.memory_space<vmem>> -> memref<128xi32, #tpu.memory_space<vmem>>
            %dma_wait3A_90 = arith.constant 0 : i32
            %dma_wait3A_91 = arith.constant 0 : i32
            %dma_wait3A_92 = tpu.memref_slice %arg12[%dma_wait3A_90, %dma_wait3A_91] : memref<10016x128xf32, #tpu.memory_space<vmem_shared>> -> memref<10016x128xf32, #tpu.memory_space<vmem_shared>>
            tpu.wait_indirect_dma semaphore(%run_scoped3A : memref<!tpu.dma_semaphore, #tpu.memory_space<semaphore_mem>>) src(%arg10 : memref<128x128xf32, #tpu.memory_space<vmem>>) dst(%dma_wait3A_92 : memref<10016x128xf32, #tpu.memory_space<vmem_shared>>)
            tpu.yield
          }) : () -> ()
          %add3A_67 = arith.constant 2 : i32
          %add3A_68 = arith.addi %add3A_53, %add3A_67 : i32
          %lt3A = arith.constant 40 : i32
          %lt3A_69 = arith.cmpi slt, %add3A_68, %lt3A : i32
          %convert_element_type3A_70 = arith.extui %lt3A_69 : i1 to i32
          %cond3A_71 = arith.constant 0 : i32
          %cond3A_72 = arith.cmpi ne, %convert_element_type3A_70, %cond3A_71 : i32
          scf.if %cond3A_72 {
            %add3A_81 = arith.constant 2 : i32
            %add3A_82 = arith.addi %add3A_53, %add3A_81 : i32
            %dma_start3A_83 = arith.constant 0 : i32
            %dma_start3A_84 = tpu.memref_slice %arg8[%add3A_82, %dma_start3A_83] : memref<40x128xi32, #tpu.memory_space<vmem>> -> memref<1x128xi32, #tpu.memory_space<vmem>>
            %dma_start3A_85 = tpu.memref_squeeze %dma_start3A_84 : memref<1x128xi32, #tpu.memory_space<vmem>> -> memref<128xi32, #tpu.memory_space<vmem>>
            %dma_start3A_86 = arith.constant 0 : i32
            %dma_start3A_87 = arith.constant 0 : i32
            %dma_start3A_88 = tpu.memref_slice %arg3[%dma_start3A_86, %dma_start3A_87] : memref<10000x128xf32, #tpu.memory_space<hbm>> -> memref<10000x128xf32, #tpu.memory_space<hbm>>
            tpu.enqueue_indirect_dma source(%dma_start3A_88 : memref<10000x128xf32, #tpu.memory_space<hbm>>) target(%arg10 : memref<128x128xf32, #tpu.memory_space<vmem>>) offsets(%dma_start3A_85 : memref<128xi32, #tpu.memory_space<vmem>>) semaphore(%arg13 : memref<!tpu.dma_semaphore, #tpu.memory_space<semaphore_mem>>)
          } else {
          }
          %dma_wait3A_73 = arith.constant 0 : i32
          %dma_wait3A_74 = arith.constant 0 : i32
          %dma_wait3A_75 = tpu.memref_slice %arg3[%dma_wait3A_73, %dma_wait3A_74] : memref<10000x128xf32, #tpu.memory_space<hbm>> -> memref<128x128xf32, #tpu.memory_space<hbm>>
          %dma_wait3A_76 = arith.constant 0 : i32
          %dma_wait3A_77 = arith.constant 0 : i32
          %dma_wait3A_78 = tpu.memref_slice %arg3[%dma_wait3A_76, %dma_wait3A_77] : memref<10000x128xf32, #tpu.memory_space<hbm>> -> memref<128x128xf32, #tpu.memory_space<hbm>>
          tpu.wait_dma2 semaphore(%arg14 : memref<!tpu.dma_semaphore, #tpu.memory_space<semaphore_mem>>) src(%dma_wait3A_78 : memref<128x128xf32, #tpu.memory_space<hbm>>) dst(%arg11 : memref<128x128xf32, #tpu.memory_space<vmem>>)
          %add3A_79 = arith.constant 1 : i32
          %add3A_80 = arith.addi %add3A_53, %add3A_79 : i32
          "tpu.region"() ({
            %run_scoped3A = tpu.sem_alloc : memref<!tpu.dma_semaphore, #tpu.memory_space<semaphore_mem>>
            %dma_start3A_81 = arith.constant 0 : i32
            %dma_start3A_82 = tpu.memref_slice %arg9[%add3A_80, %dma_start3A_81] : memref<40x128xi32, #tpu.memory_space<vmem>> -> memref<1x128xi32, #tpu.memory_space<vmem>>
            %dma_start3A_83 = tpu.memref_squeeze %dma_start3A_82 : memref<1x128xi32, #tpu.memory_space<vmem>> -> memref<128xi32, #tpu.memory_space<vmem>>
            %dma_start3A_84 = arith.constant 0 : i32
            %dma_start3A_85 = arith.constant 0 : i32
            %dma_start3A_86 = tpu.memref_slice %arg12[%dma_start3A_84, %dma_start3A_85] : memref<10016x128xf32, #tpu.memory_space<vmem_shared>> -> memref<10016x128xf32, #tpu.memory_space<vmem_shared>>
            tpu.enqueue_indirect_dma source(%arg11 : memref<128x128xf32, #tpu.memory_space<vmem>>) target(%dma_start3A_86 : memref<10016x128xf32, #tpu.memory_space<vmem_shared>>) offsets(%dma_start3A_83 : memref<128xi32, #tpu.memory_space<vmem>>) semaphore(%run_scoped3A : memref<!tpu.dma_semaphore, #tpu.memory_space<semaphore_mem>>) {add = true}
            %dma_wait3A_87 = arith.constant 0 : i32
            %dma_wait3A_88 = tpu.memref_slice %arg9[%add3A_80, %dma_wait3A_87] : memref<40x128xi32, #tpu.memory_space<vmem>> -> memref<1x128xi32, #tpu.memory_space<vmem>>
            %dma_wait3A_89 = tpu.memref_squeeze %dma_wait3A_88 : memref<1x128xi32, #tpu.memory_space<vmem>> -> memref<128xi32, #tpu.memory_space<vmem>>
            %dma_wait3A_90 = arith.constant 0 : i32
            %dma_wait3A_91 = arith.constant 0 : i32
            %dma_wait3A_92 = tpu.memref_slice %arg12[%dma_wait3A_90, %dma_wait3A_91] : memref<10016x128xf32, #tpu.memory_space<vmem_shared>> -> memref<10016x128xf32, #tpu.memory_space<vmem_shared>>
            tpu.wait_indirect_dma semaphore(%run_scoped3A : memref<!tpu.dma_semaphore, #tpu.memory_space<semaphore_mem>>) src(%arg11 : memref<128x128xf32, #tpu.memory_space<vmem>>) dst(%dma_wait3A_92 : memref<10016x128xf32, #tpu.memory_space<vmem_shared>>)
            tpu.yield
          }) : () -> ()
        }
        %scan3A_48 = arith.constant 20 : i32
      }
      %scan3A_18 = arith.constant 2 : i32
      %barrier3A_19 = arith.constant 0 : index
      tpu.barrier barrier_id(%barrier3A_19)
      %mul3A_20 = arith.constant 624 : i32
      %mul3A_21 = arith.muli %arg1, %mul3A_20 : i32
      %mul3A_22 = arith.constant 624 : i32
      %mul3A_23 = arith.muli %arg1, %mul3A_22 : i32
      "tpu.region"() ({
        %run_scoped3A = tpu.sem_alloc : memref<!tpu.dma_semaphore, #tpu.memory_space<semaphore_mem>>
        %dma_start3A = arith.constant 0 : i32
        %dma_start3A_29 = tpu.memref_slice %arg7[%mul3A_23, %dma_start3A] : memref<10000x128xf32, #tpu.memory_space<hbm>> -> memref<624x128xf32, #tpu.memory_space<hbm>>
        %dma_start3A_30 = arith.constant 0 : i32
        %dma_start3A_31 = tpu.memref_slice %arg12[%mul3A_21, %dma_start3A_30] : memref<10016x128xf32, #tpu.memory_space<vmem_shared>> -> memref<624x128xf32, #tpu.memory_space<vmem_shared>>
        tpu.enqueue_dma source(%dma_start3A_31 : memref<624x128xf32, #tpu.memory_space<vmem_shared>>) target(%dma_start3A_29 : memref<624x128xf32, #tpu.memory_space<hbm>>) target_semaphore(%run_scoped3A : memref<!tpu.dma_semaphore, #tpu.memory_space<semaphore_mem>>)
        %dma_wait3A = arith.constant 0 : i32
        %dma_wait3A_32 = tpu.memref_slice %arg7[%mul3A_23, %dma_wait3A] : memref<10000x128xf32, #tpu.memory_space<hbm>> -> memref<624x128xf32, #tpu.memory_space<hbm>>
        %dma_wait3A_33 = arith.constant 0 : i32
        %dma_wait3A_34 = tpu.memref_slice %arg12[%mul3A_21, %dma_wait3A_33] : memref<10016x128xf32, #tpu.memory_space<vmem_shared>> -> memref<624x128xf32, #tpu.memory_space<vmem_shared>>
        tpu.wait_dma2 semaphore(%run_scoped3A : memref<!tpu.dma_semaphore, #tpu.memory_space<semaphore_mem>>) src(%dma_wait3A_34 : memref<624x128xf32, #tpu.memory_space<vmem_shared>>) dst(%dma_wait3A_32 : memref<624x128xf32, #tpu.memory_space<hbm>>)
        tpu.yield
      }) : () -> ()
      %eq3A_24 = arith.constant 0 : i32
      %eq3A_25 = arith.cmpi eq, %arg1, %eq3A_24 : i32
      %convert_element_type3A_26 = arith.extui %eq3A_25 : i1 to i32
      %cond3A_27 = arith.constant 0 : i32
      %cond3A_28 = arith.cmpi ne, %convert_element_type3A_26, %cond3A_27 : i32
      scf.if %cond3A_28 {
        "tpu.region"() ({
          %run_scoped3A = tpu.sem_alloc : memref<!tpu.dma_semaphore, #tpu.memory_space<semaphore_mem>>
          %dma_start3A = arith.constant 9984 : i32
          %dma_start3A_29 = arith.constant 0 : i32
          %dma_start3A_30 = tpu.memref_slice %arg7[%dma_start3A, %dma_start3A_29] : memref<10000x128xf32, #tpu.memory_space<hbm>> -> memref<16x128xf32, #tpu.memory_space<hbm>>
          %dma_start3A_31 = arith.constant 9984 : i32
          %dma_start3A_32 = arith.constant 0 : i32
          %dma_start3A_33 = tpu.memref_slice %arg12[%dma_start3A_31, %dma_start3A_32] : memref<10016x128xf32, #tpu.memory_space<vmem_shared>> -> memref<16x128xf32, #tpu.memory_space<vmem_shared>>
          tpu.enqueue_dma source(%dma_start3A_33 : memref<16x128xf32, #tpu.memory_space<vmem_shared>>) target(%dma_start3A_30 : memref<16x128xf32, #tpu.memory_space<hbm>>) target_semaphore(%run_scoped3A : memref<!tpu.dma_semaphore, #tpu.memory_space<semaphore_mem>>)
          %dma_wait3A = arith.constant 9984 : i32
          %dma_wait3A_34 = arith.constant 0 : i32
          %dma_wait3A_35 = tpu.memref_slice %arg7[%dma_wait3A, %dma_wait3A_34] : memref<10000x128xf32, #tpu.memory_space<hbm>> -> memref<16x128xf32, #tpu.memory_space<hbm>>
          %dma_wait3A_36 = arith.constant 9984 : i32
          %dma_wait3A_37 = arith.constant 0 : i32
          %dma_wait3A_38 = tpu.memref_slice %arg12[%dma_wait3A_36, %dma_wait3A_37] : memref<10016x128xf32, #tpu.memory_space<vmem_shared>> -> memref<16x128xf32, #tpu.memory_space<vmem_shared>>
          tpu.wait_dma2 semaphore(%run_scoped3A : memref<!tpu.dma_semaphore, #tpu.memory_space<semaphore_mem>>) src(%dma_wait3A_38 : memref<16x128xf32, #tpu.memory_space<vmem_shared>>) dst(%dma_wait3A_35 : memref<16x128xf32, #tpu.memory_space<hbm>>)
          tpu.yield
        }) : () -> ()
      } else {
      }
    } else {
    }
    return
  }
}

#map = affine_map<(d0, d1) -> (0, 0)>
module attributes {stable_mosaic.version = 14 : i64} {
  func.func @agg_kernel(%arg0: i32, %arg1: i32, %arg2: memref<10000x64xf32, #tpu.memory_space<hbm>>, %arg3: memref<1280x128xi32, #tpu.memory_space<hbm>>, %arg4: memref<1280x128xi32, #tpu.memory_space<hbm>>, %arg5: memref<10000x64xf32, #tpu.memory_space<hbm>>, %arg6: memref<10000x64xf32, #tpu.memory_space<hbm>>, %arg7: memref<40x128xi32, #tpu.memory_space<vmem>>, %arg8: memref<40x128xi32, #tpu.memory_space<vmem>>, %arg9: memref<128x64xf32, #tpu.memory_space<vmem>>, %arg10: memref<128x64xf32, #tpu.memory_space<vmem>>, %arg11: memref<10016x64xf32, #tpu.memory_space<vmem_shared>>, %arg12: memref<!tpu.dma_semaphore, #tpu.memory_space<semaphore_mem>>, %arg13: memref<!tpu.dma_semaphore, #tpu.memory_space<semaphore_mem>>) attributes {dimension_semantics = [#tpu.dimension_semantics<core_parallel>, #tpu.dimension_semantics<subcore_parallel>], iteration_bounds = array<i64: 2, 16>, scalar_prefetch = 0 : i64, scratch_operands = 7 : i64, tpu.core_type = #tpu.core_type<sc_vector_subcore>, window_params = [{transform_indices = #map}, {transform_indices = #map}, {transform_indices = #map}, {transform_indices = #map}, {transform_indices = #map}]} {
    %mul3A = arith.constant 624 : i32
    %mul3A_0 = arith.muli %arg1, %mul3A : i32
    %mul3A_1 = arith.constant 624 : i32
    %mul3A_2 = arith.muli %arg1, %mul3A_1 : i32
    "tpu.region"() ({
      %run_scoped3A = tpu.sem_alloc : memref<!tpu.dma_semaphore, #tpu.memory_space<semaphore_mem>>
      %dma_start3A_30 = arith.constant 0 : i32
      %dma_start3A_31 = tpu.memref_slice %arg11[%mul3A_2, %dma_start3A_30] : memref<10016x64xf32, #tpu.memory_space<vmem_shared>> -> memref<624x64xf32, #tpu.memory_space<vmem_shared>>
      %dma_start3A_32 = arith.constant 0 : i32
      %dma_start3A_33 = tpu.memref_slice %arg2[%mul3A_0, %dma_start3A_32] : memref<10000x64xf32, #tpu.memory_space<hbm>> -> memref<624x64xf32, #tpu.memory_space<hbm>>
      tpu.enqueue_dma source(%dma_start3A_33 : memref<624x64xf32, #tpu.memory_space<hbm>>) target(%dma_start3A_31 : memref<624x64xf32, #tpu.memory_space<vmem_shared>>) target_semaphore(%run_scoped3A : memref<!tpu.dma_semaphore, #tpu.memory_space<semaphore_mem>>)
      %dma_wait3A = arith.constant 0 : i32
      %dma_wait3A_34 = tpu.memref_slice %arg11[%mul3A_2, %dma_wait3A] : memref<10016x64xf32, #tpu.memory_space<vmem_shared>> -> memref<624x64xf32, #tpu.memory_space<vmem_shared>>
      %dma_wait3A_35 = arith.constant 0 : i32
      %dma_wait3A_36 = tpu.memref_slice %arg2[%mul3A_0, %dma_wait3A_35] : memref<10000x64xf32, #tpu.memory_space<hbm>> -> memref<624x64xf32, #tpu.memory_space<hbm>>
      tpu.wait_dma2 semaphore(%run_scoped3A : memref<!tpu.dma_semaphore, #tpu.memory_space<semaphore_mem>>) src(%dma_wait3A_36 : memref<624x64xf32, #tpu.memory_space<hbm>>) dst(%dma_wait3A_34 : memref<624x64xf32, #tpu.memory_space<vmem_shared>>)
      tpu.yield
    }) : () -> ()
    %eq3A = arith.constant 0 : i32
    %eq3A_3 = arith.cmpi eq, %arg1, %eq3A : i32
    %convert_element_type3A = arith.extui %eq3A_3 : i1 to i32
    %cond3A = arith.constant 0 : i32
    %cond3A_4 = arith.cmpi ne, %convert_element_type3A, %cond3A : i32
    scf.if %cond3A_4 {
      "tpu.region"() ({
        %run_scoped3A = tpu.sem_alloc : memref<!tpu.dma_semaphore, #tpu.memory_space<semaphore_mem>>
        %dma_start3A_30 = arith.constant 9984 : i32
        %dma_start3A_31 = arith.constant 0 : i32
        %dma_start3A_32 = tpu.memref_slice %arg11[%dma_start3A_30, %dma_start3A_31] : memref<10016x64xf32, #tpu.memory_space<vmem_shared>> -> memref<16x64xf32, #tpu.memory_space<vmem_shared>>
        %dma_start3A_33 = arith.constant 9984 : i32
        %dma_start3A_34 = arith.constant 0 : i32
        %dma_start3A_35 = tpu.memref_slice %arg2[%dma_start3A_33, %dma_start3A_34] : memref<10000x64xf32, #tpu.memory_space<hbm>> -> memref<16x64xf32, #tpu.memory_space<hbm>>
        tpu.enqueue_dma source(%dma_start3A_35 : memref<16x64xf32, #tpu.memory_space<hbm>>) target(%dma_start3A_32 : memref<16x64xf32, #tpu.memory_space<vmem_shared>>) target_semaphore(%run_scoped3A : memref<!tpu.dma_semaphore, #tpu.memory_space<semaphore_mem>>)
        %dma_wait3A = arith.constant 9984 : i32
        %dma_wait3A_36 = arith.constant 0 : i32
        %dma_wait3A_37 = tpu.memref_slice %arg11[%dma_wait3A, %dma_wait3A_36] : memref<10016x64xf32, #tpu.memory_space<vmem_shared>> -> memref<16x64xf32, #tpu.memory_space<vmem_shared>>
        %dma_wait3A_38 = arith.constant 9984 : i32
        %dma_wait3A_39 = arith.constant 0 : i32
        %dma_wait3A_40 = tpu.memref_slice %arg2[%dma_wait3A_38, %dma_wait3A_39] : memref<10000x64xf32, #tpu.memory_space<hbm>> -> memref<16x64xf32, #tpu.memory_space<hbm>>
        tpu.wait_dma2 semaphore(%run_scoped3A : memref<!tpu.dma_semaphore, #tpu.memory_space<semaphore_mem>>) src(%dma_wait3A_40 : memref<16x64xf32, #tpu.memory_space<hbm>>) dst(%dma_wait3A_37 : memref<16x64xf32, #tpu.memory_space<vmem_shared>>)
        tpu.yield
      }) : () -> ()
    } else {
    }
    %barrier3A = arith.constant 0 : index
    tpu.barrier barrier_id(%barrier3A)
    %mul3A_5 = arith.constant 640 : i32
    %mul3A_6 = arith.muli %arg0, %mul3A_5 : i32
    %mul3A_7 = arith.constant 40 : i32
    %mul3A_8 = arith.muli %arg1, %mul3A_7 : i32
    %add3A = arith.addi %mul3A_6, %mul3A_8 : i32
    "tpu.region"() ({
      %run_scoped3A = tpu.sem_alloc : memref<!tpu.dma_semaphore, #tpu.memory_space<semaphore_mem>>
      %dma_start3A_30 = arith.constant 0 : i32
      %dma_start3A_31 = tpu.memref_slice %arg3[%add3A, %dma_start3A_30] : memref<1280x128xi32, #tpu.memory_space<hbm>> -> memref<40x128xi32, #tpu.memory_space<hbm>>
      %dma_start3A_32 = arith.constant 0 : i32
      %dma_start3A_33 = tpu.memref_slice %arg3[%add3A, %dma_start3A_32] : memref<1280x128xi32, #tpu.memory_space<hbm>> -> memref<40x128xi32, #tpu.memory_space<hbm>>
      tpu.enqueue_dma source(%dma_start3A_33 : memref<40x128xi32, #tpu.memory_space<hbm>>) target(%arg7 : memref<40x128xi32, #tpu.memory_space<vmem>>) target_semaphore(%run_scoped3A : memref<!tpu.dma_semaphore, #tpu.memory_space<semaphore_mem>>)
      %dma_wait3A = arith.constant 0 : i32
      %dma_wait3A_34 = tpu.memref_slice %arg3[%add3A, %dma_wait3A] : memref<1280x128xi32, #tpu.memory_space<hbm>> -> memref<40x128xi32, #tpu.memory_space<hbm>>
      %dma_wait3A_35 = arith.constant 0 : i32
      %dma_wait3A_36 = tpu.memref_slice %arg3[%add3A, %dma_wait3A_35] : memref<1280x128xi32, #tpu.memory_space<hbm>> -> memref<40x128xi32, #tpu.memory_space<hbm>>
      tpu.wait_dma2 semaphore(%run_scoped3A : memref<!tpu.dma_semaphore, #tpu.memory_space<semaphore_mem>>) src(%dma_wait3A_36 : memref<40x128xi32, #tpu.memory_space<hbm>>) dst(%arg7 : memref<40x128xi32, #tpu.memory_space<vmem>>)
      tpu.yield
    }) : () -> ()
    "tpu.region"() ({
      %run_scoped3A = tpu.sem_alloc : memref<!tpu.dma_semaphore, #tpu.memory_space<semaphore_mem>>
      %dma_start3A_30 = arith.constant 0 : i32
      %dma_start3A_31 = tpu.memref_slice %arg4[%add3A, %dma_start3A_30] : memref<1280x128xi32, #tpu.memory_space<hbm>> -> memref<40x128xi32, #tpu.memory_space<hbm>>
      %dma_start3A_32 = arith.constant 0 : i32
      %dma_start3A_33 = tpu.memref_slice %arg4[%add3A, %dma_start3A_32] : memref<1280x128xi32, #tpu.memory_space<hbm>> -> memref<40x128xi32, #tpu.memory_space<hbm>>
      tpu.enqueue_dma source(%dma_start3A_33 : memref<40x128xi32, #tpu.memory_space<hbm>>) target(%arg8 : memref<40x128xi32, #tpu.memory_space<vmem>>) target_semaphore(%run_scoped3A : memref<!tpu.dma_semaphore, #tpu.memory_space<semaphore_mem>>)
      %dma_wait3A = arith.constant 0 : i32
      %dma_wait3A_34 = tpu.memref_slice %arg4[%add3A, %dma_wait3A] : memref<1280x128xi32, #tpu.memory_space<hbm>> -> memref<40x128xi32, #tpu.memory_space<hbm>>
      %dma_wait3A_35 = arith.constant 0 : i32
      %dma_wait3A_36 = tpu.memref_slice %arg4[%add3A, %dma_wait3A_35] : memref<1280x128xi32, #tpu.memory_space<hbm>> -> memref<40x128xi32, #tpu.memory_space<hbm>>
      tpu.wait_dma2 semaphore(%run_scoped3A : memref<!tpu.dma_semaphore, #tpu.memory_space<semaphore_mem>>) src(%dma_wait3A_36 : memref<40x128xi32, #tpu.memory_space<hbm>>) dst(%arg8 : memref<40x128xi32, #tpu.memory_space<vmem>>)
      tpu.yield
    }) : () -> ()
    %dma_start3A = arith.constant 0 : i32
    %dma_start3A_9 = arith.constant 0 : i32
    %dma_start3A_10 = tpu.memref_slice %arg7[%dma_start3A, %dma_start3A_9] : memref<40x128xi32, #tpu.memory_space<vmem>> -> memref<1x128xi32, #tpu.memory_space<vmem>>
    %dma_start3A_11 = tpu.memref_squeeze %dma_start3A_10 : memref<1x128xi32, #tpu.memory_space<vmem>> -> memref<128xi32, #tpu.memory_space<vmem>>
    %dma_start3A_12 = arith.constant 0 : i32
    %dma_start3A_13 = arith.constant 0 : i32
    %dma_start3A_14 = tpu.memref_slice %arg2[%dma_start3A_12, %dma_start3A_13] : memref<10000x64xf32, #tpu.memory_space<hbm>> -> memref<10000x64xf32, #tpu.memory_space<hbm>>
    tpu.enqueue_indirect_dma source(%dma_start3A_14 : memref<10000x64xf32, #tpu.memory_space<hbm>>) target(%arg9 : memref<128x64xf32, #tpu.memory_space<vmem>>) offsets(%dma_start3A_11 : memref<128xi32, #tpu.memory_space<vmem>>) semaphore(%arg12 : memref<!tpu.dma_semaphore, #tpu.memory_space<semaphore_mem>>)
    %scan3A = arith.constant 0 : i32
    %scan3A_15 = arith.constant 20 : i32
    %scan3A_16 = arith.addi %scan3A, %scan3A_15 : i32
    %scan3A_17 = arith.constant 1 : i32
    scf.for %scan3A_30 = %scan3A to %scan3A_16 step %scan3A_17  : i32 {
      %mul3A_31 = arith.constant 2 : i32
      %mul3A_32 = arith.muli %scan3A_30, %mul3A_31 : i32
      %add3A_33 = arith.constant 0 : i32
      %add3A_34 = arith.addi %add3A_33, %mul3A_32 : i32
      %add3A_35 = arith.constant 1 : i32
      %add3A_36 = arith.addi %add3A_34, %add3A_35 : i32
      %dma_start3A_37 = arith.constant 0 : i32
      %dma_start3A_38 = tpu.memref_slice %arg7[%add3A_36, %dma_start3A_37] : memref<40x128xi32, #tpu.memory_space<vmem>> -> memref<1x128xi32, #tpu.memory_space<vmem>>
      %dma_start3A_39 = tpu.memref_squeeze %dma_start3A_38 : memref<1x128xi32, #tpu.memory_space<vmem>> -> memref<128xi32, #tpu.memory_space<vmem>>
      %dma_start3A_40 = arith.constant 0 : i32
      %dma_start3A_41 = arith.constant 0 : i32
      %dma_start3A_42 = tpu.memref_slice %arg2[%dma_start3A_40, %dma_start3A_41] : memref<10000x64xf32, #tpu.memory_space<hbm>> -> memref<10000x64xf32, #tpu.memory_space<hbm>>
      tpu.enqueue_indirect_dma source(%dma_start3A_42 : memref<10000x64xf32, #tpu.memory_space<hbm>>) target(%arg10 : memref<128x64xf32, #tpu.memory_space<vmem>>) offsets(%dma_start3A_39 : memref<128xi32, #tpu.memory_space<vmem>>) semaphore(%arg13 : memref<!tpu.dma_semaphore, #tpu.memory_space<semaphore_mem>>)
      %dma_wait3A = arith.constant 0 : i32
      %dma_wait3A_43 = arith.constant 0 : i32
      %dma_wait3A_44 = tpu.memref_slice %arg2[%dma_wait3A, %dma_wait3A_43] : memref<10000x64xf32, #tpu.memory_space<hbm>> -> memref<128x64xf32, #tpu.memory_space<hbm>>
      %dma_wait3A_45 = arith.constant 0 : i32
      %dma_wait3A_46 = arith.constant 0 : i32
      %dma_wait3A_47 = tpu.memref_slice %arg2[%dma_wait3A_45, %dma_wait3A_46] : memref<10000x64xf32, #tpu.memory_space<hbm>> -> memref<128x64xf32, #tpu.memory_space<hbm>>
      tpu.wait_dma2 semaphore(%arg12 : memref<!tpu.dma_semaphore, #tpu.memory_space<semaphore_mem>>) src(%dma_wait3A_47 : memref<128x64xf32, #tpu.memory_space<hbm>>) dst(%arg9 : memref<128x64xf32, #tpu.memory_space<vmem>>)
      "tpu.region"() ({
        %run_scoped3A = tpu.sem_alloc : memref<!tpu.dma_semaphore, #tpu.memory_space<semaphore_mem>>
        %dma_start3A_62 = arith.constant 0 : i32
        %dma_start3A_63 = tpu.memref_slice %arg8[%add3A_34, %dma_start3A_62] : memref<40x128xi32, #tpu.memory_space<vmem>> -> memref<1x128xi32, #tpu.memory_space<vmem>>
        %dma_start3A_64 = tpu.memref_squeeze %dma_start3A_63 : memref<1x128xi32, #tpu.memory_space<vmem>> -> memref<128xi32, #tpu.memory_space<vmem>>
        %dma_start3A_65 = arith.constant 0 : i32
        %dma_start3A_66 = arith.constant 0 : i32
        %dma_start3A_67 = tpu.memref_slice %arg11[%dma_start3A_65, %dma_start3A_66] : memref<10016x64xf32, #tpu.memory_space<vmem_shared>> -> memref<10016x64xf32, #tpu.memory_space<vmem_shared>>
        tpu.enqueue_indirect_dma source(%arg9 : memref<128x64xf32, #tpu.memory_space<vmem>>) target(%dma_start3A_67 : memref<10016x64xf32, #tpu.memory_space<vmem_shared>>) offsets(%dma_start3A_64 : memref<128xi32, #tpu.memory_space<vmem>>) semaphore(%run_scoped3A : memref<!tpu.dma_semaphore, #tpu.memory_space<semaphore_mem>>) {add = true}
        %dma_wait3A_68 = arith.constant 0 : i32
        %dma_wait3A_69 = tpu.memref_slice %arg8[%add3A_34, %dma_wait3A_68] : memref<40x128xi32, #tpu.memory_space<vmem>> -> memref<1x128xi32, #tpu.memory_space<vmem>>
        %dma_wait3A_70 = tpu.memref_squeeze %dma_wait3A_69 : memref<1x128xi32, #tpu.memory_space<vmem>> -> memref<128xi32, #tpu.memory_space<vmem>>
        %dma_wait3A_71 = arith.constant 0 : i32
        %dma_wait3A_72 = arith.constant 0 : i32
        %dma_wait3A_73 = tpu.memref_slice %arg11[%dma_wait3A_71, %dma_wait3A_72] : memref<10016x64xf32, #tpu.memory_space<vmem_shared>> -> memref<10016x64xf32, #tpu.memory_space<vmem_shared>>
        tpu.wait_indirect_dma semaphore(%run_scoped3A : memref<!tpu.dma_semaphore, #tpu.memory_space<semaphore_mem>>) src(%arg9 : memref<128x64xf32, #tpu.memory_space<vmem>>) dst(%dma_wait3A_73 : memref<10016x64xf32, #tpu.memory_space<vmem_shared>>)
        tpu.yield
      }) : () -> ()
      %add3A_48 = arith.constant 2 : i32
      %add3A_49 = arith.addi %add3A_34, %add3A_48 : i32
      %lt3A = arith.constant 40 : i32
      %lt3A_50 = arith.cmpi slt, %add3A_49, %lt3A : i32
      %convert_element_type3A_51 = arith.extui %lt3A_50 : i1 to i32
      %cond3A_52 = arith.constant 0 : i32
      %cond3A_53 = arith.cmpi ne, %convert_element_type3A_51, %cond3A_52 : i32
      scf.if %cond3A_53 {
        %add3A_62 = arith.constant 2 : i32
        %add3A_63 = arith.addi %add3A_34, %add3A_62 : i32
        %dma_start3A_64 = arith.constant 0 : i32
        %dma_start3A_65 = tpu.memref_slice %arg7[%add3A_63, %dma_start3A_64] : memref<40x128xi32, #tpu.memory_space<vmem>> -> memref<1x128xi32, #tpu.memory_space<vmem>>
        %dma_start3A_66 = tpu.memref_squeeze %dma_start3A_65 : memref<1x128xi32, #tpu.memory_space<vmem>> -> memref<128xi32, #tpu.memory_space<vmem>>
        %dma_start3A_67 = arith.constant 0 : i32
        %dma_start3A_68 = arith.constant 0 : i32
        %dma_start3A_69 = tpu.memref_slice %arg2[%dma_start3A_67, %dma_start3A_68] : memref<10000x64xf32, #tpu.memory_space<hbm>> -> memref<10000x64xf32, #tpu.memory_space<hbm>>
        tpu.enqueue_indirect_dma source(%dma_start3A_69 : memref<10000x64xf32, #tpu.memory_space<hbm>>) target(%arg9 : memref<128x64xf32, #tpu.memory_space<vmem>>) offsets(%dma_start3A_66 : memref<128xi32, #tpu.memory_space<vmem>>) semaphore(%arg12 : memref<!tpu.dma_semaphore, #tpu.memory_space<semaphore_mem>>)
      } else {
      }
      %dma_wait3A_54 = arith.constant 0 : i32
      %dma_wait3A_55 = arith.constant 0 : i32
      %dma_wait3A_56 = tpu.memref_slice %arg2[%dma_wait3A_54, %dma_wait3A_55] : memref<10000x64xf32, #tpu.memory_space<hbm>> -> memref<128x64xf32, #tpu.memory_space<hbm>>
      %dma_wait3A_57 = arith.constant 0 : i32
      %dma_wait3A_58 = arith.constant 0 : i32
      %dma_wait3A_59 = tpu.memref_slice %arg2[%dma_wait3A_57, %dma_wait3A_58] : memref<10000x64xf32, #tpu.memory_space<hbm>> -> memref<128x64xf32, #tpu.memory_space<hbm>>
      tpu.wait_dma2 semaphore(%arg13 : memref<!tpu.dma_semaphore, #tpu.memory_space<semaphore_mem>>) src(%dma_wait3A_59 : memref<128x64xf32, #tpu.memory_space<hbm>>) dst(%arg10 : memref<128x64xf32, #tpu.memory_space<vmem>>)
      %add3A_60 = arith.constant 1 : i32
      %add3A_61 = arith.addi %add3A_34, %add3A_60 : i32
      "tpu.region"() ({
        %run_scoped3A = tpu.sem_alloc : memref<!tpu.dma_semaphore, #tpu.memory_space<semaphore_mem>>
        %dma_start3A_62 = arith.constant 0 : i32
        %dma_start3A_63 = tpu.memref_slice %arg8[%add3A_61, %dma_start3A_62] : memref<40x128xi32, #tpu.memory_space<vmem>> -> memref<1x128xi32, #tpu.memory_space<vmem>>
        %dma_start3A_64 = tpu.memref_squeeze %dma_start3A_63 : memref<1x128xi32, #tpu.memory_space<vmem>> -> memref<128xi32, #tpu.memory_space<vmem>>
        %dma_start3A_65 = arith.constant 0 : i32
        %dma_start3A_66 = arith.constant 0 : i32
        %dma_start3A_67 = tpu.memref_slice %arg11[%dma_start3A_65, %dma_start3A_66] : memref<10016x64xf32, #tpu.memory_space<vmem_shared>> -> memref<10016x64xf32, #tpu.memory_space<vmem_shared>>
        tpu.enqueue_indirect_dma source(%arg10 : memref<128x64xf32, #tpu.memory_space<vmem>>) target(%dma_start3A_67 : memref<10016x64xf32, #tpu.memory_space<vmem_shared>>) offsets(%dma_start3A_64 : memref<128xi32, #tpu.memory_space<vmem>>) semaphore(%run_scoped3A : memref<!tpu.dma_semaphore, #tpu.memory_space<semaphore_mem>>) {add = true}
        %dma_wait3A_68 = arith.constant 0 : i32
        %dma_wait3A_69 = tpu.memref_slice %arg8[%add3A_61, %dma_wait3A_68] : memref<40x128xi32, #tpu.memory_space<vmem>> -> memref<1x128xi32, #tpu.memory_space<vmem>>
        %dma_wait3A_70 = tpu.memref_squeeze %dma_wait3A_69 : memref<1x128xi32, #tpu.memory_space<vmem>> -> memref<128xi32, #tpu.memory_space<vmem>>
        %dma_wait3A_71 = arith.constant 0 : i32
        %dma_wait3A_72 = arith.constant 0 : i32
        %dma_wait3A_73 = tpu.memref_slice %arg11[%dma_wait3A_71, %dma_wait3A_72] : memref<10016x64xf32, #tpu.memory_space<vmem_shared>> -> memref<10016x64xf32, #tpu.memory_space<vmem_shared>>
        tpu.wait_indirect_dma semaphore(%run_scoped3A : memref<!tpu.dma_semaphore, #tpu.memory_space<semaphore_mem>>) src(%arg10 : memref<128x64xf32, #tpu.memory_space<vmem>>) dst(%dma_wait3A_73 : memref<10016x64xf32, #tpu.memory_space<vmem_shared>>)
        tpu.yield
      }) : () -> ()
    }
    %scan3A_18 = arith.constant 20 : i32
    %barrier3A_19 = arith.constant 0 : index
    tpu.barrier barrier_id(%barrier3A_19)
    %eq3A_20 = arith.constant 0 : i32
    %eq3A_21 = arith.cmpi eq, %arg0, %eq3A_20 : i32
    %convert_element_type3A_22 = arith.extui %eq3A_21 : i1 to i32
    %cond3A_23 = arith.constant 0 : i32
    %cond3A_24 = arith.cmpi ne, %convert_element_type3A_22, %cond3A_23 : i32
    scf.if %cond3A_24 {
      %mul3A_30 = arith.constant 624 : i32
      %mul3A_31 = arith.muli %arg1, %mul3A_30 : i32
      %mul3A_32 = arith.constant 624 : i32
      %mul3A_33 = arith.muli %arg1, %mul3A_32 : i32
      "tpu.region"() ({
        %run_scoped3A = tpu.sem_alloc : memref<!tpu.dma_semaphore, #tpu.memory_space<semaphore_mem>>
        %dma_start3A_39 = arith.constant 0 : i32
        %dma_start3A_40 = tpu.memref_slice %arg5[%mul3A_33, %dma_start3A_39] : memref<10000x64xf32, #tpu.memory_space<hbm>> -> memref<624x64xf32, #tpu.memory_space<hbm>>
        %dma_start3A_41 = arith.constant 0 : i32
        %dma_start3A_42 = tpu.memref_slice %arg11[%mul3A_31, %dma_start3A_41] : memref<10016x64xf32, #tpu.memory_space<vmem_shared>> -> memref<624x64xf32, #tpu.memory_space<vmem_shared>>
        tpu.enqueue_dma source(%dma_start3A_42 : memref<624x64xf32, #tpu.memory_space<vmem_shared>>) target(%dma_start3A_40 : memref<624x64xf32, #tpu.memory_space<hbm>>) target_semaphore(%run_scoped3A : memref<!tpu.dma_semaphore, #tpu.memory_space<semaphore_mem>>)
        %dma_wait3A = arith.constant 0 : i32
        %dma_wait3A_43 = tpu.memref_slice %arg5[%mul3A_33, %dma_wait3A] : memref<10000x64xf32, #tpu.memory_space<hbm>> -> memref<624x64xf32, #tpu.memory_space<hbm>>
        %dma_wait3A_44 = arith.constant 0 : i32
        %dma_wait3A_45 = tpu.memref_slice %arg11[%mul3A_31, %dma_wait3A_44] : memref<10016x64xf32, #tpu.memory_space<vmem_shared>> -> memref<624x64xf32, #tpu.memory_space<vmem_shared>>
        tpu.wait_dma2 semaphore(%run_scoped3A : memref<!tpu.dma_semaphore, #tpu.memory_space<semaphore_mem>>) src(%dma_wait3A_45 : memref<624x64xf32, #tpu.memory_space<vmem_shared>>) dst(%dma_wait3A_43 : memref<624x64xf32, #tpu.memory_space<hbm>>)
        tpu.yield
      }) : () -> ()
      %eq3A_34 = arith.constant 0 : i32
      %eq3A_35 = arith.cmpi eq, %arg1, %eq3A_34 : i32
      %convert_element_type3A_36 = arith.extui %eq3A_35 : i1 to i32
      %cond3A_37 = arith.constant 0 : i32
      %cond3A_38 = arith.cmpi ne, %convert_element_type3A_36, %cond3A_37 : i32
      scf.if %cond3A_38 {
        "tpu.region"() ({
          %run_scoped3A = tpu.sem_alloc : memref<!tpu.dma_semaphore, #tpu.memory_space<semaphore_mem>>
          %dma_start3A_39 = arith.constant 9984 : i32
          %dma_start3A_40 = arith.constant 0 : i32
          %dma_start3A_41 = tpu.memref_slice %arg5[%dma_start3A_39, %dma_start3A_40] : memref<10000x64xf32, #tpu.memory_space<hbm>> -> memref<16x64xf32, #tpu.memory_space<hbm>>
          %dma_start3A_42 = arith.constant 9984 : i32
          %dma_start3A_43 = arith.constant 0 : i32
          %dma_start3A_44 = tpu.memref_slice %arg11[%dma_start3A_42, %dma_start3A_43] : memref<10016x64xf32, #tpu.memory_space<vmem_shared>> -> memref<16x64xf32, #tpu.memory_space<vmem_shared>>
          tpu.enqueue_dma source(%dma_start3A_44 : memref<16x64xf32, #tpu.memory_space<vmem_shared>>) target(%dma_start3A_41 : memref<16x64xf32, #tpu.memory_space<hbm>>) target_semaphore(%run_scoped3A : memref<!tpu.dma_semaphore, #tpu.memory_space<semaphore_mem>>)
          %dma_wait3A = arith.constant 9984 : i32
          %dma_wait3A_45 = arith.constant 0 : i32
          %dma_wait3A_46 = tpu.memref_slice %arg5[%dma_wait3A, %dma_wait3A_45] : memref<10000x64xf32, #tpu.memory_space<hbm>> -> memref<16x64xf32, #tpu.memory_space<hbm>>
          %dma_wait3A_47 = arith.constant 9984 : i32
          %dma_wait3A_48 = arith.constant 0 : i32
          %dma_wait3A_49 = tpu.memref_slice %arg11[%dma_wait3A_47, %dma_wait3A_48] : memref<10016x64xf32, #tpu.memory_space<vmem_shared>> -> memref<16x64xf32, #tpu.memory_space<vmem_shared>>
          tpu.wait_dma2 semaphore(%run_scoped3A : memref<!tpu.dma_semaphore, #tpu.memory_space<semaphore_mem>>) src(%dma_wait3A_49 : memref<16x64xf32, #tpu.memory_space<vmem_shared>>) dst(%dma_wait3A_46 : memref<16x64xf32, #tpu.memory_space<hbm>>)
          tpu.yield
        }) : () -> ()
      } else {
      }
    } else {
    }
    %eq3A_25 = arith.constant 1 : i32
    %eq3A_26 = arith.cmpi eq, %arg0, %eq3A_25 : i32
    %convert_element_type3A_27 = arith.extui %eq3A_26 : i1 to i32
    %cond3A_28 = arith.constant 0 : i32
    %cond3A_29 = arith.cmpi ne, %convert_element_type3A_27, %cond3A_28 : i32
    scf.if %cond3A_29 {
      %mul3A_30 = arith.constant 624 : i32
      %mul3A_31 = arith.muli %arg1, %mul3A_30 : i32
      %mul3A_32 = arith.constant 624 : i32
      %mul3A_33 = arith.muli %arg1, %mul3A_32 : i32
      "tpu.region"() ({
        %run_scoped3A = tpu.sem_alloc : memref<!tpu.dma_semaphore, #tpu.memory_space<semaphore_mem>>
        %dma_start3A_39 = arith.constant 0 : i32
        %dma_start3A_40 = tpu.memref_slice %arg6[%mul3A_33, %dma_start3A_39] : memref<10000x64xf32, #tpu.memory_space<hbm>> -> memref<624x64xf32, #tpu.memory_space<hbm>>
        %dma_start3A_41 = arith.constant 0 : i32
        %dma_start3A_42 = tpu.memref_slice %arg11[%mul3A_31, %dma_start3A_41] : memref<10016x64xf32, #tpu.memory_space<vmem_shared>> -> memref<624x64xf32, #tpu.memory_space<vmem_shared>>
        tpu.enqueue_dma source(%dma_start3A_42 : memref<624x64xf32, #tpu.memory_space<vmem_shared>>) target(%dma_start3A_40 : memref<624x64xf32, #tpu.memory_space<hbm>>) target_semaphore(%run_scoped3A : memref<!tpu.dma_semaphore, #tpu.memory_space<semaphore_mem>>)
        %dma_wait3A = arith.constant 0 : i32
        %dma_wait3A_43 = tpu.memref_slice %arg6[%mul3A_33, %dma_wait3A] : memref<10000x64xf32, #tpu.memory_space<hbm>> -> memref<624x64xf32, #tpu.memory_space<hbm>>
        %dma_wait3A_44 = arith.constant 0 : i32
        %dma_wait3A_45 = tpu.memref_slice %arg11[%mul3A_31, %dma_wait3A_44] : memref<10016x64xf32, #tpu.memory_space<vmem_shared>> -> memref<624x64xf32, #tpu.memory_space<vmem_shared>>
        tpu.wait_dma2 semaphore(%run_scoped3A : memref<!tpu.dma_semaphore, #tpu.memory_space<semaphore_mem>>) src(%dma_wait3A_45 : memref<624x64xf32, #tpu.memory_space<vmem_shared>>) dst(%dma_wait3A_43 : memref<624x64xf32, #tpu.memory_space<hbm>>)
        tpu.yield
      }) : () -> ()
      %eq3A_34 = arith.constant 0 : i32
      %eq3A_35 = arith.cmpi eq, %arg1, %eq3A_34 : i32
      %convert_element_type3A_36 = arith.extui %eq3A_35 : i1 to i32
      %cond3A_37 = arith.constant 0 : i32
      %cond3A_38 = arith.cmpi ne, %convert_element_type3A_36, %cond3A_37 : i32
      scf.if %cond3A_38 {
        "tpu.region"() ({
          %run_scoped3A = tpu.sem_alloc : memref<!tpu.dma_semaphore, #tpu.memory_space<semaphore_mem>>
          %dma_start3A_39 = arith.constant 9984 : i32
          %dma_start3A_40 = arith.constant 0 : i32
          %dma_start3A_41 = tpu.memref_slice %arg6[%dma_start3A_39, %dma_start3A_40] : memref<10000x64xf32, #tpu.memory_space<hbm>> -> memref<16x64xf32, #tpu.memory_space<hbm>>
          %dma_start3A_42 = arith.constant 9984 : i32
          %dma_start3A_43 = arith.constant 0 : i32
          %dma_start3A_44 = tpu.memref_slice %arg11[%dma_start3A_42, %dma_start3A_43] : memref<10016x64xf32, #tpu.memory_space<vmem_shared>> -> memref<16x64xf32, #tpu.memory_space<vmem_shared>>
          tpu.enqueue_dma source(%dma_start3A_44 : memref<16x64xf32, #tpu.memory_space<vmem_shared>>) target(%dma_start3A_41 : memref<16x64xf32, #tpu.memory_space<hbm>>) target_semaphore(%run_scoped3A : memref<!tpu.dma_semaphore, #tpu.memory_space<semaphore_mem>>)
          %dma_wait3A = arith.constant 9984 : i32
          %dma_wait3A_45 = arith.constant 0 : i32
          %dma_wait3A_46 = tpu.memref_slice %arg6[%dma_wait3A, %dma_wait3A_45] : memref<10000x64xf32, #tpu.memory_space<hbm>> -> memref<16x64xf32, #tpu.memory_space<hbm>>
          %dma_wait3A_47 = arith.constant 9984 : i32
          %dma_wait3A_48 = arith.constant 0 : i32
          %dma_wait3A_49 = tpu.memref_slice %arg11[%dma_wait3A_47, %dma_wait3A_48] : memref<10016x64xf32, #tpu.memory_space<vmem_shared>> -> memref<16x64xf32, #tpu.memory_space<vmem_shared>>
          tpu.wait_dma2 semaphore(%run_scoped3A : memref<!tpu.dma_semaphore, #tpu.memory_space<semaphore_mem>>) src(%dma_wait3A_49 : memref<16x64xf32, #tpu.memory_space<vmem_shared>>) dst(%dma_wait3A_46 : memref<16x64xf32, #tpu.memory_space<hbm>>)
          tpu.yield
        }) : () -> ()
      } else {
      }
    } else {
    }
    return
  }
}

module attributes {stable_mosaic.version = 14 : i64} {
  func.func @_mm1_body(%arg0: i32, %arg1: memref<1000x256xf32, #tpu.memory_space<vmem>>, %arg2: memref<256x256xf32, #tpu.memory_space<vmem>>, %arg3: memref<1000x16xf32, #tpu.memory_space<vmem>>, %arg4: memref<1000x16xf32, #tpu.memory_space<vmem>>, %arg5: memref<1000x128xf32, #tpu.memory_space<vmem>>, %arg6: memref<1000x128xf32, #tpu.memory_space<vmem>>) attributes {dimension_semantics = [#tpu.dimension_semantics<arbitrary>], iteration_bounds = array<i64: 10>, scalar_prefetch = 0 : i64, scratch_operands = 0 : i64, tpu.core_type = #tpu.core_type<tc>, window_params = [{transform_indices = @transform_0, window_bounds = array<i64: 1000, 256>}, {pipeline_mode = #tpu.pipeline_mode<synchronous>, transform_indices = @transform_1, window_bounds = array<i64: 256, 256>}, {transform_indices = @transform_2, window_bounds = array<i64: 1000, 16>}, {transform_indices = @transform_3, window_bounds = array<i64: 1000, 16>}, {transform_indices = @transform_4, window_bounds = array<i64: 1000, 128>}, {transform_indices = @transform_5, window_bounds = array<i64: 1000, 128>}]} {
    %get3A = arith.constant 0 : index
    %get3A_0 = arith.constant 0 : index
    %get3A_1 = vector.load %arg3[%get3A, %get3A_0] : memref<1000x16xf32, #tpu.memory_space<vmem>>, vector<1000x1xf32>
    %get3A_2 = arith.constant 0 : index
    %get3A_3 = arith.constant 0 : index
    %get3A_4 = vector.load %arg4[%get3A_2, %get3A_3] : memref<1000x16xf32, #tpu.memory_space<vmem>>, vector<1000x1xf32>
    %add3A = arith.addf %get3A_1, %get3A_4 : vector<1000x1xf32>
    %add3A_5 = arith.constant 1.000000e+00 : f32
    %add3A_6 = vector.broadcast %add3A_5 : f32 to vector<1000x1xf32>
    %add3A_7 = arith.addf %add3A, %add3A_6 : vector<1000x1xf32>
    %rsqrt3A = math.rsqrt %add3A_7 : vector<1000x1xf32>
    %get3A_8 = arith.constant 0 : index
    %get3A_9 = arith.constant 0 : index
    %get3A_10 = vector.load %arg1[%get3A_8, %get3A_9] : memref<1000x256xf32, #tpu.memory_space<vmem>>, vector<1000x256xf32>
    %get3A_11 = arith.constant 0 : index
    %get3A_12 = arith.constant 0 : index
    %get3A_13 = vector.load %arg2[%get3A_11, %get3A_12] : memref<256x256xf32, #tpu.memory_space<vmem>>, vector<256x256xf32>
    %dot_general3A = arith.constant dense<0.000000e+00> : vector<1000x256xf32>
    %dot_general3A_14 = tpu.matmul %get3A_10, %get3A_13, %dot_general3A {dimension_numbers = #tpu.dot_dimension_numbers<[1], [0], [0], [1], [0, 0, 1, 1], [], []>, precision = #tpu.contract_precision<fp32>, transpose_lhs_hint = false} : vector<1000x256xf32>, vector<256x256xf32>, vector<1000x256xf32> -> vector<1000x256xf32>
    %mul3A = vector.broadcast %rsqrt3A : vector<1000x1xf32> to vector<1000x256xf32>
    %mul3A_15 = arith.mulf %dot_general3A_14, %mul3A : vector<1000x256xf32>
    %slice3A = vector.extract_strided_slice %mul3A_15 {offsets = [0, 0], sizes = [1000, 128], strides = [1, 1]} : vector<1000x256xf32> to vector<1000x128xf32>
    %swap3A = arith.constant 0 : index
    %swap3A_16 = arith.constant 0 : index
    %swap3A_17 = vector.load %arg5[%swap3A, %swap3A_16] : memref<1000x128xf32, #tpu.memory_space<vmem>>, vector<1000x128xf32>
    tpu.vector_store %arg5[%swap3A, %swap3A_16], %slice3A {strides = array<i32>} : memref<1000x128xf32, #tpu.memory_space<vmem>>, vector<1000x128xf32>,
    %slice3A_18 = vector.extract_strided_slice %mul3A_15 {offsets = [0, 128], sizes = [1000, 128], strides = [1, 1]} : vector<1000x256xf32> to vector<1000x128xf32>
    %swap3A_19 = arith.constant 0 : index
    %swap3A_20 = arith.constant 0 : index
    %swap3A_21 = vector.load %arg6[%swap3A_19, %swap3A_20] : memref<1000x128xf32, #tpu.memory_space<vmem>>, vector<1000x128xf32>
    tpu.vector_store %arg6[%swap3A_19, %swap3A_20], %slice3A_18 {strides = array<i32>} : memref<1000x128xf32, #tpu.memory_space<vmem>>, vector<1000x128xf32>,
    return
  }
  func.func @transform_0(%arg0: i32) -> (i32, i32) {
    %c0_i32 = arith.constant 0 : i32
    %c0_i32_0 = arith.constant 0 : i32
    return %arg0, %c0_i32 : i32, i32
  }
  func.func @transform_1(%arg0: i32) -> (i32, i32) {
    %c0_i32 = arith.constant 0 : i32
    %c0_i32_0 = arith.constant 0 : i32
    %c0_i32_1 = arith.constant 0 : i32
    return %c0_i32, %c0_i32_0 : i32, i32
  }
  func.func @transform_2(%arg0: i32) -> (i32, i32) {
    %c0_i32 = arith.constant 0 : i32
    %c0_i32_0 = arith.constant 0 : i32
    return %arg0, %c0_i32 : i32, i32
  }
  func.func @transform_3(%arg0: i32) -> (i32, i32) {
    %c0_i32 = arith.constant 0 : i32
    %c0_i32_0 = arith.constant 0 : i32
    return %arg0, %c0_i32 : i32, i32
  }
  func.func @transform_4(%arg0: i32) -> (i32, i32) {
    %c0_i32 = arith.constant 0 : i32
    %c0_i32_0 = arith.constant 0 : i32
    return %arg0, %c0_i32 : i32, i32
  }
  func.func @transform_5(%arg0: i32) -> (i32, i32) {
    %c0_i32 = arith.constant 0 : i32
    %c0_i32_0 = arith.constant 0 : i32
    return %arg0, %c0_i32 : i32, i32
  }
}

module attributes {stable_mosaic.version = 14 : i64} {
  func.func @_layer2_body(%arg0: i32, %arg1: memref<1000x128xf32, #tpu.memory_space<vmem>>, %arg2: memref<1000x128xf32, #tpu.memory_space<vmem>>, %arg3: memref<1000x16xf32, #tpu.memory_space<vmem>>, %arg4: memref<1000x16xf32, #tpu.memory_space<vmem>>, %arg5: memref<1x256xf32, #tpu.memory_space<vmem>>, %arg6: memref<256x64xf32, #tpu.memory_space<vmem>>, %arg7: memref<1000x64xf32, #tpu.memory_space<vmem>>) attributes {dimension_semantics = [#tpu.dimension_semantics<arbitrary>], iteration_bounds = array<i64: 10>, scalar_prefetch = 0 : i64, scratch_operands = 0 : i64, tpu.core_type = #tpu.core_type<tc>, window_params = [{transform_indices = @transform_0, window_bounds = array<i64: 1000, 128>}, {transform_indices = @transform_1, window_bounds = array<i64: 1000, 128>}, {transform_indices = @transform_2, window_bounds = array<i64: 1000, 16>}, {transform_indices = @transform_3, window_bounds = array<i64: 1000, 16>}, {pipeline_mode = #tpu.pipeline_mode<synchronous>, transform_indices = @transform_4, window_bounds = array<i64: 1, 256>}, {pipeline_mode = #tpu.pipeline_mode<synchronous>, transform_indices = @transform_5, window_bounds = array<i64: 256, 64>}, {transform_indices = @transform_6, window_bounds = array<i64: 1000, 64>}]} {
    %get3A = arith.constant 0 : index
    %get3A_0 = arith.constant 0 : index
    %get3A_1 = vector.load %arg3[%get3A, %get3A_0] : memref<1000x16xf32, #tpu.memory_space<vmem>>, vector<1000x1xf32>
    %get3A_2 = arith.constant 0 : index
    %get3A_3 = arith.constant 0 : index
    %get3A_4 = vector.load %arg4[%get3A_2, %get3A_3] : memref<1000x16xf32, #tpu.memory_space<vmem>>, vector<1000x1xf32>
    %add3A = arith.addf %get3A_1, %get3A_4 : vector<1000x1xf32>
    %add3A_5 = arith.constant 1.000000e+00 : f32
    %add3A_6 = vector.broadcast %add3A_5 : f32 to vector<1000x1xf32>
    %add3A_7 = arith.addf %add3A, %add3A_6 : vector<1000x1xf32>
    %rsqrt3A = math.rsqrt %add3A_7 : vector<1000x1xf32>
    %get3A_8 = arith.constant 0 : index
    %get3A_9 = arith.constant 0 : index
    %get3A_10 = vector.load %arg1[%get3A_8, %get3A_9] : memref<1000x128xf32, #tpu.memory_space<vmem>>, vector<1000x128xf32>
    %mul3A = vector.broadcast %rsqrt3A : vector<1000x1xf32> to vector<1000x128xf32>
    %mul3A_11 = arith.mulf %get3A_10, %mul3A : vector<1000x128xf32>
    %get3A_12 = arith.constant 0 : index
    %get3A_13 = arith.constant 0 : index
    %get3A_14 = vector.load %arg5[%get3A_12, %get3A_13] : memref<1x256xf32, #tpu.memory_space<vmem>>, vector<1x128xf32>
    %add3A_15 = vector.broadcast %get3A_14 : vector<1x128xf32> to vector<1000x128xf32>
    %add3A_16 = arith.addf %mul3A_11, %add3A_15 : vector<1000x128xf32>
    %max3A = arith.constant 0.000000e+00 : f32
    %max3A_17 = vector.broadcast %max3A : f32 to vector<1000x128xf32>
    %max3A_18 = arith.maximumf %add3A_16, %max3A_17 : vector<1000x128xf32>
    %get3A_19 = arith.constant 0 : index
    %get3A_20 = arith.constant 0 : index
    %get3A_21 = vector.load %arg2[%get3A_19, %get3A_20] : memref<1000x128xf32, #tpu.memory_space<vmem>>, vector<1000x128xf32>
    %mul3A_22 = vector.broadcast %rsqrt3A : vector<1000x1xf32> to vector<1000x128xf32>
    %mul3A_23 = arith.mulf %get3A_21, %mul3A_22 : vector<1000x128xf32>
    %get3A_24 = arith.constant 0 : index
    %get3A_25 = arith.constant 128 : index
    %get3A_26 = vector.load %arg5[%get3A_24, %get3A_25] : memref<1x256xf32, #tpu.memory_space<vmem>>, vector<1x128xf32>
    %add3A_27 = vector.broadcast %get3A_26 : vector<1x128xf32> to vector<1000x128xf32>
    %add3A_28 = arith.addf %mul3A_23, %add3A_27 : vector<1000x128xf32>
    %max3A_29 = arith.constant 0.000000e+00 : f32
    %max3A_30 = vector.broadcast %max3A_29 : f32 to vector<1000x128xf32>
    %max3A_31 = arith.maximumf %add3A_28, %max3A_30 : vector<1000x128xf32>
    %get3A_32 = arith.constant 0 : index
    %get3A_33 = arith.constant 0 : index
    %get3A_34 = vector.load %arg6[%get3A_32, %get3A_33] : memref<256x64xf32, #tpu.memory_space<vmem>>, vector<128x64xf32>
    %dot_general3A = arith.constant dense<0.000000e+00> : vector<1000x64xf32>
    %dot_general3A_35 = tpu.matmul %max3A_18, %get3A_34, %dot_general3A {dimension_numbers = #tpu.dot_dimension_numbers<[1], [0], [0], [1], [0, 0, 1, 1], [], []>, precision = #tpu.contract_precision<fp32>, transpose_lhs_hint = false} : vector<1000x128xf32>, vector<128x64xf32>, vector<1000x64xf32> -> vector<1000x64xf32>
    %get3A_36 = arith.constant 128 : index
    %get3A_37 = arith.constant 0 : index
    %get3A_38 = vector.load %arg6[%get3A_36, %get3A_37] : memref<256x64xf32, #tpu.memory_space<vmem>>, vector<128x64xf32>
    %dot_general3A_39 = arith.constant dense<0.000000e+00> : vector<1000x64xf32>
    %dot_general3A_40 = tpu.matmul %max3A_31, %get3A_38, %dot_general3A_39 {dimension_numbers = #tpu.dot_dimension_numbers<[1], [0], [0], [1], [0, 0, 1, 1], [], []>, precision = #tpu.contract_precision<fp32>, transpose_lhs_hint = false} : vector<1000x128xf32>, vector<128x64xf32>, vector<1000x64xf32> -> vector<1000x64xf32>
    %add3A_41 = arith.addf %dot_general3A_35, %dot_general3A_40 : vector<1000x64xf32>
    %mul3A_42 = vector.broadcast %rsqrt3A : vector<1000x1xf32> to vector<1000x64xf32>
    %mul3A_43 = arith.mulf %add3A_41, %mul3A_42 : vector<1000x64xf32>
    %swap3A = arith.constant 0 : index
    %swap3A_44 = arith.constant 0 : index
    %swap3A_45 = vector.load %arg7[%swap3A, %swap3A_44] : memref<1000x64xf32, #tpu.memory_space<vmem>>, vector<1000x64xf32>
    tpu.vector_store %arg7[%swap3A, %swap3A_44], %mul3A_43 {strides = array<i32>} : memref<1000x64xf32, #tpu.memory_space<vmem>>, vector<1000x64xf32>,
    return
  }
  func.func @transform_0(%arg0: i32) -> (i32, i32) {
    %c0_i32 = arith.constant 0 : i32
    %c0_i32_0 = arith.constant 0 : i32
    return %arg0, %c0_i32 : i32, i32
  }
  func.func @transform_1(%arg0: i32) -> (i32, i32) {
    %c0_i32 = arith.constant 0 : i32
    %c0_i32_0 = arith.constant 0 : i32
    return %arg0, %c0_i32 : i32, i32
  }
  func.func @transform_2(%arg0: i32) -> (i32, i32) {
    %c0_i32 = arith.constant 0 : i32
    %c0_i32_0 = arith.constant 0 : i32
    return %arg0, %c0_i32 : i32, i32
  }
  func.func @transform_3(%arg0: i32) -> (i32, i32) {
    %c0_i32 = arith.constant 0 : i32
    %c0_i32_0 = arith.constant 0 : i32
    return %arg0, %c0_i32 : i32, i32
  }
  func.func @transform_4(%arg0: i32) -> (i32, i32) {
    %c0_i32 = arith.constant 0 : i32
    %c0_i32_0 = arith.constant 0 : i32
    %c0_i32_1 = arith.constant 0 : i32
    return %c0_i32, %c0_i32_0 : i32, i32
  }
  func.func @transform_5(%arg0: i32) -> (i32, i32) {
    %c0_i32 = arith.constant 0 : i32
    %c0_i32_0 = arith.constant 0 : i32
    %c0_i32_1 = arith.constant 0 : i32
    return %c0_i32, %c0_i32_0 : i32, i32
  }
  func.func @transform_6(%arg0: i32) -> (i32, i32) {
    %c0_i32 = arith.constant 0 : i32
    %c0_i32_0 = arith.constant 0 : i32
    return %arg0, %c0_i32 : i32, i32
  }
}

module attributes {stable_mosaic.version = 14 : i64} {
  func.func @_finalize_body(%arg0: memref<10000x64xf32, #tpu.memory_space<vmem>>, %arg1: memref<10000x64xf32, #tpu.memory_space<vmem>>, %arg2: memref<10000x64xf32, #tpu.memory_space<vmem>>, %arg3: memref<10112x16xf32, #tpu.memory_space<vmem>>, %arg4: memref<10112x16xf32, #tpu.memory_space<vmem>>, %arg5: memref<1x64xf32, #tpu.memory_space<vmem>>, %arg6: memref<10000x64xf32, #tpu.memory_space<vmem>>, %arg7: memref<10000x64xbf16, #tpu.memory_space<vmem>>, %arg8: memref<10000x64xbf16, #tpu.memory_space<vmem>>, %arg9: memref<256x10000xbf16, #tpu.memory_space<vmem>>) attributes {dimension_semantics = [], scalar_prefetch = 0 : i64, scratch_operands = 0 : i64, tpu.core_type = #tpu.core_type<tc>} {
    %get3A = arith.constant 0 : index
    %get3A_0 = arith.constant 0 : index
    %get3A_1 = vector.load %arg3[%get3A, %get3A_0] : memref<10112x16xf32, #tpu.memory_space<vmem>>, vector<10000x1xf32>
    %get3A_2 = arith.constant 0 : index
    %get3A_3 = arith.constant 0 : index
    %get3A_4 = vector.load %arg4[%get3A_2, %get3A_3] : memref<10112x16xf32, #tpu.memory_space<vmem>>, vector<10000x1xf32>
    %add3A = arith.addf %get3A_1, %get3A_4 : vector<10000x1xf32>
    %add3A_5 = arith.constant 1.000000e+00 : f32
    %add3A_6 = vector.broadcast %add3A_5 : f32 to vector<10000x1xf32>
    %add3A_7 = arith.addf %add3A, %add3A_6 : vector<10000x1xf32>
    %rsqrt3A = math.rsqrt %add3A_7 : vector<10000x1xf32>
    %get3A_8 = arith.constant 0 : index
    %get3A_9 = arith.constant 0 : index
    %get3A_10 = vector.load %arg0[%get3A_8, %get3A_9] : memref<10000x64xf32, #tpu.memory_space<vmem>>, vector<10000x64xf32>
    %get3A_11 = arith.constant 0 : index
    %get3A_12 = arith.constant 0 : index
    %get3A_13 = vector.load %arg1[%get3A_11, %get3A_12] : memref<10000x64xf32, #tpu.memory_space<vmem>>, vector<10000x64xf32>
    %add3A_14 = arith.addf %get3A_10, %get3A_13 : vector<10000x64xf32>
    %get3A_15 = arith.constant 0 : index
    %get3A_16 = arith.constant 0 : index
    %get3A_17 = vector.load %arg2[%get3A_15, %get3A_16] : memref<10000x64xf32, #tpu.memory_space<vmem>>, vector<10000x64xf32>
    %sub3A = arith.subf %add3A_14, %get3A_17 : vector<10000x64xf32>
    %mul3A = vector.broadcast %rsqrt3A : vector<10000x1xf32> to vector<10000x64xf32>
    %mul3A_18 = arith.mulf %sub3A, %mul3A : vector<10000x64xf32>
    %get3A_19 = arith.constant 0 : index
    %get3A_20 = arith.constant 0 : index
    %get3A_21 = vector.load %arg5[%get3A_19, %get3A_20] : memref<1x64xf32, #tpu.memory_space<vmem>>, vector<1x64xf32>
    %add3A_22 = vector.broadcast %get3A_21 : vector<1x64xf32> to vector<10000x64xf32>
    %add3A_23 = arith.addf %mul3A_18, %add3A_22 : vector<10000x64xf32>
    %reduce_max3A = arith.constant dense<0xFF800000> : vector<10000xf32>
    %reduce_max3A_24 = vector.multi_reduction <maximumf>, %add3A_23, %reduce_max3A [1] : vector<10000x64xf32> to vector<10000xf32>
    %broadcast_in_dim3A = vector.shape_cast %reduce_max3A_24 : vector<10000xf32> to vector<10000x1xf32>
    %sub3A_25 = vector.broadcast %broadcast_in_dim3A : vector<10000x1xf32> to vector<10000x64xf32>
    %sub3A_26 = arith.subf %add3A_23, %sub3A_25 : vector<10000x64xf32>
    %exp3A = math.exp %sub3A_26 : vector<10000x64xf32>
    %reduce_sum3A = arith.constant dense<0.000000e+00> : vector<10000xf32>
    %reduce_sum3A_27 = vector.multi_reduction <add>, %exp3A, %reduce_sum3A [1] : vector<10000x64xf32> to vector<10000xf32>
    %broadcast_in_dim3A_28 = vector.shape_cast %reduce_sum3A_27 : vector<10000xf32> to vector<10000x1xf32>
    %log3A = math.log %broadcast_in_dim3A_28 : vector<10000x1xf32>
    %sub3A_29 = vector.broadcast %log3A : vector<10000x1xf32> to vector<10000x64xf32>
    %sub3A_30 = arith.subf %sub3A_26, %sub3A_29 : vector<10000x64xf32>
    %swap3A = arith.constant 0 : index
    %swap3A_31 = arith.constant 0 : index
    %swap3A_32 = vector.load %arg6[%swap3A, %swap3A_31] : memref<10000x64xf32, #tpu.memory_space<vmem>>, vector<10000x64xf32>
    tpu.vector_store %arg6[%swap3A, %swap3A_31], %sub3A_30 {strides = array<i32>} : memref<10000x64xf32, #tpu.memory_space<vmem>>, vector<10000x64xf32>,
    %mul3A_33 = arith.mulf %add3A_23, %add3A_23 : vector<10000x64xf32>
    %reduce_sum3A_34 = arith.constant dense<0.000000e+00> : vector<10000xf32>
    %reduce_sum3A_35 = vector.multi_reduction <add>, %mul3A_33, %reduce_sum3A_34 [1] : vector<10000x64xf32> to vector<10000xf32>
    %broadcast_in_dim3A_36 = vector.shape_cast %reduce_sum3A_35 : vector<10000xf32> to vector<10000x1xf32>
    %rsqrt3A_37 = math.rsqrt %broadcast_in_dim3A_36 : vector<10000x1xf32>
    %mul3A_38 = vector.broadcast %rsqrt3A_37 : vector<10000x1xf32> to vector<10000x64xf32>
    %mul3A_39 = arith.mulf %add3A_23, %mul3A_38 : vector<10000x64xf32>
    %convert_element_type3A = arith.truncf %mul3A_39 : vector<10000x64xf32> to vector<10000x64xbf16>
    %swap3A_40 = arith.constant 0 : index
    %swap3A_41 = arith.constant 0 : index
    %swap3A_42 = vector.load %arg7[%swap3A_40, %swap3A_41] : memref<10000x64xbf16, #tpu.memory_space<vmem>>, vector<10000x64xbf16>
    tpu.vector_store %arg7[%swap3A_40, %swap3A_41], %convert_element_type3A {strides = array<i32>} : memref<10000x64xbf16, #tpu.memory_space<vmem>>, vector<10000x64xbf16>,
    %convert_element_type3A_43 = arith.extf %convert_element_type3A : vector<10000x64xbf16> to vector<10000x64xf32>
    %sub3A_44 = arith.subf %mul3A_39, %convert_element_type3A_43 : vector<10000x64xf32>
    %convert_element_type3A_45 = arith.truncf %sub3A_44 : vector<10000x64xf32> to vector<10000x64xbf16>
    %swap3A_46 = arith.constant 0 : index
    %swap3A_47 = arith.constant 0 : index
    %swap3A_48 = vector.load %arg8[%swap3A_46, %swap3A_47] : memref<10000x64xbf16, #tpu.memory_space<vmem>>, vector<10000x64xbf16>
    tpu.vector_store %arg8[%swap3A_46, %swap3A_47], %convert_element_type3A_45 {strides = array<i32>} : memref<10000x64xbf16, #tpu.memory_space<vmem>>, vector<10000x64xbf16>,
    %transpose3A = tpu.transpose %mul3A_39, [1, 0] : vector<10000x64xf32> -> vector<64x10000xf32>
    %convert_element_type3A_49 = arith.truncf %transpose3A : vector<64x10000xf32> to vector<64x10000xbf16>
    %convert_element_type3A_50 = arith.extf %convert_element_type3A_49 : vector<64x10000xbf16> to vector<64x10000xf32>
    %sub3A_51 = arith.subf %transpose3A, %convert_element_type3A_50 : vector<64x10000xf32>
    %convert_element_type3A_52 = arith.truncf %sub3A_51 : vector<64x10000xf32> to vector<64x10000xbf16>
    %swap3A_53 = arith.constant 0 : index
    %swap3A_54 = arith.constant 0 : index
    %swap3A_55 = vector.load %arg9[%swap3A_53, %swap3A_54] : memref<256x10000xbf16, #tpu.memory_space<vmem>>, vector<64x10000xbf16>
    tpu.vector_store %arg9[%swap3A_53, %swap3A_54], %convert_element_type3A_49 {strides = array<i32>} : memref<256x10000xbf16, #tpu.memory_space<vmem>>, vector<64x10000xbf16>,
    %swap3A_56 = arith.constant 64 : index
    %swap3A_57 = arith.constant 0 : index
    %swap3A_58 = vector.load %arg9[%swap3A_56, %swap3A_57] : memref<256x10000xbf16, #tpu.memory_space<vmem>>, vector<64x10000xbf16>
    tpu.vector_store %arg9[%swap3A_56, %swap3A_57], %convert_element_type3A_52 {strides = array<i32>} : memref<256x10000xbf16, #tpu.memory_space<vmem>>, vector<64x10000xbf16>,
    %swap3A_59 = arith.constant 128 : index
    %swap3A_60 = arith.constant 0 : index
    %swap3A_61 = vector.load %arg9[%swap3A_59, %swap3A_60] : memref<256x10000xbf16, #tpu.memory_space<vmem>>, vector<64x10000xbf16>
    tpu.vector_store %arg9[%swap3A_59, %swap3A_60], %convert_element_type3A_49 {strides = array<i32>} : memref<256x10000xbf16, #tpu.memory_space<vmem>>, vector<64x10000xbf16>,
    %swap3A_62 = arith.constant 192 : index
    %swap3A_63 = arith.constant 0 : index
    %swap3A_64 = vector.load %arg9[%swap3A_62, %swap3A_63] : memref<256x10000xbf16, #tpu.memory_space<vmem>>, vector<64x10000xbf16>
    tpu.vector_store %arg9[%swap3A_62, %swap3A_63], %convert_element_type3A_52 {strides = array<i32>} : memref<256x10000xbf16, #tpu.memory_space<vmem>>, vector<64x10000xbf16>,
    return
  }
}

module attributes {stable_mosaic.version = 14 : i64} {
  func.func @_sim_body(%arg0: i32, %arg1: memref<200x64xbf16, #tpu.memory_space<vmem>>, %arg2: memref<200x64xbf16, #tpu.memory_space<vmem>>, %arg3: memref<256x10000xbf16, #tpu.memory_space<vmem>>, %arg4: memref<200x10000xf32, #tpu.memory_space<vmem>>, %arg5: memref<200x10000xf32, #tpu.memory_space<vmem>>) attributes {dimension_semantics = [#tpu.dimension_semantics<arbitrary>], iteration_bounds = array<i64: 50>, scalar_prefetch = 0 : i64, scratch_operands = 0 : i64, tpu.core_type = #tpu.core_type<tc>, window_params = [{transform_indices = @transform_0, window_bounds = array<i64: 200, 64>}, {transform_indices = @transform_1, window_bounds = array<i64: 200, 64>}, {pipeline_mode = #tpu.pipeline_mode<synchronous>, transform_indices = @transform_2, window_bounds = array<i64: 256, 10000>}, {transform_indices = @transform_3, window_bounds = array<i64: 200, 10000>}, {transform_indices = @transform_4, window_bounds = array<i64: 200, 10000>}]} {
    %get3A = arith.constant 0 : index
    %get3A_0 = arith.constant 0 : index
    %get3A_1 = vector.load %arg1[%get3A, %get3A_0] : memref<200x64xbf16, #tpu.memory_space<vmem>>, vector<200x64xbf16>
    %get3A_2 = arith.constant 0 : index
    %get3A_3 = arith.constant 0 : index
    %get3A_4 = vector.load %arg2[%get3A_2, %get3A_3] : memref<200x64xbf16, #tpu.memory_space<vmem>>, vector<200x64xbf16>
    %concatenate3A = tpu.concatenate %get3A_1, %get3A_1, %get3A_4, %get3A_4 in 1 : vector<200x64xbf16>, vector<200x64xbf16>, vector<200x64xbf16>, vector<200x64xbf16> -> vector<200x256xbf16>
    %get3A_5 = arith.constant 0 : index
    %get3A_6 = arith.constant 0 : index
    %get3A_7 = vector.load %arg3[%get3A_5, %get3A_6] : memref<256x10000xbf16, #tpu.memory_space<vmem>>, vector<256x10000xbf16>
    %dot_general3A = arith.constant dense<0.000000e+00> : vector<200x10000xf32>
    %dot_general3A_8 = tpu.matmul %concatenate3A, %get3A_7, %dot_general3A {dimension_numbers = #tpu.dot_dimension_numbers<[1], [0], [0], [1], [0, 0, 1, 1], [], []>, transpose_lhs_hint = false} : vector<200x256xbf16>, vector<256x10000xbf16>, vector<200x10000xf32> -> vector<200x10000xf32>
    %get3A_9 = arith.constant 0 : index
    %get3A_10 = arith.constant 0 : index
    %get3A_11 = vector.load %arg4[%get3A_9, %get3A_10] : memref<200x10000xf32, #tpu.memory_space<vmem>>, vector<200x10000xf32>
    %sub3A = arith.constant 1.000000e+00 : f32
    %sub3A_12 = vector.broadcast %sub3A : f32 to vector<200x10000xf32>
    %sub3A_13 = arith.subf %sub3A_12, %get3A_11 : vector<200x10000xf32>
    %mul3A = arith.mulf %sub3A_13, %dot_general3A_8 : vector<200x10000xf32>
    %swap3A = arith.constant 0 : index
    %swap3A_14 = arith.constant 0 : index
    %swap3A_15 = vector.load %arg5[%swap3A, %swap3A_14] : memref<200x10000xf32, #tpu.memory_space<vmem>>, vector<200x10000xf32>
    tpu.vector_store %arg5[%swap3A, %swap3A_14], %mul3A {strides = array<i32>} : memref<200x10000xf32, #tpu.memory_space<vmem>>, vector<200x10000xf32>,
    return
  }
  func.func @transform_0(%arg0: i32) -> (i32, i32) {
    %c0_i32 = arith.constant 0 : i32
    %c0_i32_0 = arith.constant 0 : i32
    return %arg0, %c0_i32 : i32, i32
  }
  func.func @transform_1(%arg0: i32) -> (i32, i32) {
    %c0_i32 = arith.constant 0 : i32
    %c0_i32_0 = arith.constant 0 : i32
    return %arg0, %c0_i32 : i32, i32
  }
  func.func @transform_2(%arg0: i32) -> (i32, i32) {
    %c0_i32 = arith.constant 0 : i32
    %c0_i32_0 = arith.constant 0 : i32
    %c0_i32_1 = arith.constant 0 : i32
    return %c0_i32, %c0_i32_0 : i32, i32
  }
  func.func @transform_3(%arg0: i32) -> (i32, i32) {
    %c0_i32 = arith.constant 0 : i32
    %c0_i32_0 = arith.constant 0 : i32
    return %arg0, %c0_i32 : i32, i32
  }
  func.func @transform_4(%arg0: i32) -> (i32, i32) {
    %c0_i32 = arith.constant 0 : i32
    %c0_i32_0 = arith.constant 0 : i32
    return %arg0, %c0_i32 : i32, i32
  }
}

</mosaic_0001>

<sc_bundles>
// kernel: kernel.12.cloned.1.call-start
scs
__scs_entry_jumppad:
0x0: {  	(pc) =	sbr.rel $0x88, $3  }
0x1: {  	(tag) =	ssettag $0x0;
	lr =	simm.s32 $0x1  }
0x2: {  	[smem:$0x3F9A] =	sst lr;
	_ =	strace $0xD0000000  }
0x3: {  	_ = 	snop  }
0x4: {  	_ = 	snop  }
0x5: {  	_ = 	snop  }
0x6: {  	_ = 	snop  }
0x7: {  	_ = 	snop  }
__scs_overlays_trampoline_lowered:
0x8: {  	[smem:$0x3FA9] =	sst s0  }
0x9: {  	[smem:$0x3FAA] =	sst s1  }
0xa: {  	[smem:$0x3FAB] =	sst s2  }
0xb: {  	[smem:$0x3FAC] =	sst s3  }
0xc: {  	[smem:$0x3FAD] =	sst s4  }
0xd: {  	[smem:$0x3FAE] =	sst s5  }
0xe: {  	[smem:$0x3FAF] =	sst s6  }
0xf: {  	[smem:$0x3FB0] =	sst s7  }
0x10: {  	[smem:$0x3FB1] =	sst s8  }
0x11: {  	[smem:$0x3FB2] =	sst s9;
	s0 =	simm.s32 @!p0 $0x0  }
0x12: {  	s1 =	sld [smem:$0x3F98];
	s0 =	simm.s32 @p0 $0x1  }
0x13: {  	[smem:$0x3FB3] =	sst s0;
	s0 =	simm.s32 @!p1 $0x0  }
0x14: {  	s2 =	sld [smem:$0x3F97];
	s0 =	simm.s32 @p1 $0x1  }
0x15: {  	[smem:$0x3FB4] =	sst s0;
	s0 =	simm.s32 @!p2 $0x0  }
0x16: {  	s3 =	sld [smem:$0x3FDB];
	s0 =	simm.s32 @p2 $0x1  }
0x17: {  	s4 =	simm.s32 $0x1BF5;
	[smem:$0x3FB6] =	sst s0  }
0x18: {  	s0 =	sld [smem:$0x3F99];
	_ =	swait.ge [sflag:s4], $0x0  }
0x19: {  	s7 =	sld [smem:$0x3F9A]  }
0x1a: {  	s8 =	sadd.s32 $0xFFFFE003, lr  }
0x1b: {  	s9 =	sadd.s32 $0xFFFFFEF7, lr;
	s5 =	simm.s32 $0xFFFFFFFF;
	p2 =	slt.u32 s8, $0xFFFFF086  }
0x1c: {  	p1 =	slt.u32 s9, $0xF7A;
	s5 =	simm.s32 @!p2 $0x0  }
0x1d: {  	s5 =	simm.s32 @p1 $0x1;
	p0 =	seq.s32 s7, s2  }
0x1e: {  	s7 =	smul.u32 @!p0 $0xF7A, s2;
	p2 =	seq.s32 @!p0 s5, $0x0  }
0x1f: {  	s9 =	smul.u32 $0xF7A, s1;
	s8 =	simm.s32 @!p0 $0x1BF5;
	p2 =	por !p2, p0  }
0x20: {  	[sflag:s8] =	ssyncset.s32 @!p0 $0xFFFFF086;
	s6 =	sadd.s32 @!p0 s3, s7;
	s7 =	simm.s32 @!p0 $0x108  }
0x21: {  	s3 =	sadd.s32 s3, s9;
	s6 =	sadd.s32 @!p0 $0x88, s6;
	s7 =	simm.s32 @p2 $0x1082  }
0x22: {  	[simem:s7], [sflag:s8] =	dma.local @!p0 [hbm:s6], $0xF7A  }
0x23: {  	s9 =	sor.u32 $0xD0000000, s2;
	s6 =	simm.s32 $0x108;
	_ =	swait.ge @!p0 [sflag:s8], $0x0  }
0x24: {  	s3 =	sadd.s32 $0x88, s3;
	s6 =	simm.s32 @!p1 $0x1082;
	[sflag:s4] =	ssyncset.s32 $0xFFFFF086  }
0x25: {  	[simem:s6], [sflag:s4] =	dma.local [hbm:s3], $0xF7A  }
0x26: {  	[smem:$0x3F9A] =	sst s1;
	(tag) =	ssettag s2;
	_ =	strace s9  }
0x27: {  	s1 =	sld [smem:$0x3FAA]  }
0x28: {  	s2 =	sld [smem:$0x3FAB]  }
0x29: {  	s4 =	sld [smem:$0x3FAD]  }
0x2a: {  	p0 =	seq.s32 s5, $0x0;
	s5 =	sld [smem:$0x3FAE]  }
0x2b: {  	s6 =	sld [smem:$0x3FAF]  }
0x2c: {  	s7 =	sld [smem:$0x3FB0]  }
0x2d: {  	s3 =	simm.s32 $0x108;
	s8 =	sld [smem:$0x3FB1]  }
0x2e: {  	s3 =	simm.s32 @!p0 $0x1082;
	s9 =	sld [smem:$0x3FB2]  }
0x2f: {  	lr =	sadd.s32 s0, s3;
	s0 =	sld [smem:$0x3FA9]  }
0x30: {  	s3 =	sld [smem:$0x3FAC]  }
0x31: {  	[smem:$0x3FB5] =	sst s10  }
0x32: {  	s10 =	sld [smem:$0x3FB3];
	_ =	sdelay $0x3  }
0x33: {  	p0 =	seq.s32 s10, $0x1;
	s10 =	sld [smem:$0x3FB5];
	_ =	sdelay $0x3  }
0x34: {  	[smem:$0x3FB5] =	sst s10  }
0x35: {  	s10 =	sld [smem:$0x3FB4];
	_ =	sdelay $0x3  }
0x36: {  	p1 =	seq.s32 s10, $0x1;
	s10 =	sld [smem:$0x3FB5];
	_ =	sdelay $0x3  }
0x37: {  	[smem:$0x3FB5] =	sst s10  }
0x38: {  	s10 =	sld [smem:$0x3FB6]  }
0x39: {  	_ = 	snop;
	(pc) =	sbr.ind lr, $3  }
0x3a: {  	_ = 	snop  }
0x3b: {  	_ = 	snop  }
0x3c: {  	p2 =	seq.s32 s10, $0x1;
	s10 =	sld [smem:$0x3FB5]  }
0x3d: {  	_ =	shalt  }
0x3e: {  	_ =	shalt  }
0x3f: {  	_ =	shalt  }
0x40: {  	_ =	shalt  }
0x41: {  	_ =	shalt  }
0x42: {  	_ =	shalt  }
0x43: {  	_ =	shalt  }
0x44: {  	_ =	shalt  }
0x45: {  	_ =	shalt  }
0x46: {  	_ =	shalt  }
0x47: {  	_ =	shalt  }
0x48: {  	_ =	shalt  }
0x49: {  	_ =	shalt  }
0x4a: {  	_ =	shalt  }
0x4b: {  	_ =	shalt  }
0x4c: {  	_ =	shalt  }
0x4d: {  	_ =	shalt  }
0x4e: {  	_ =	shalt  }
0x4f: {  	_ =	shalt  }
0x50: {  	_ =	shalt  }
0x51: {  	_ =	shalt  }
0x52: {  	_ =	shalt  }
0x53: {  	_ =	shalt  }
0x54: {  	_ =	shalt  }
0x55: {  	_ =	shalt  }
0x56: {  	_ =	shalt  }
0x57: {  	_ =	shalt  }
0x58: {  	_ =	shalt  }
0x59: {  	_ =	shalt  }
0x5a: {  	_ =	shalt  }
0x5b: {  	_ =	shalt  }
0x5c: {  	_ =	shalt  }
0x5d: {  	_ =	shalt  }
0x5e: {  	_ =	shalt  }
0x5f: {  	_ =	shalt  }
0x60: {  	_ =	shalt  }
0x61: {  	_ =	shalt  }
0x62: {  	_ =	shalt  }
0x63: {  	_ =	shalt  }
0x64: {  	_ =	shalt  }
0x65: {  	_ =	shalt  }
0x66: {  	_ =	shalt  }
0x67: {  	_ =	shalt  }
0x68: {  	_ =	shalt  }
0x69: {  	_ =	shalt  }
0x6a: {  	_ =	shalt  }
0x6b: {  	_ =	shalt  }
0x6c: {  	_ =	shalt  }
0x6d: {  	_ =	shalt  }
0x6e: {  	_ =	shalt  }
0x6f: {  	_ =	shalt  }
0x70: {  	_ =	shalt  }
0x71: {  	_ =	shalt  }
0x72: {  	_ =	shalt  }
0x73: {  	_ =	shalt  }
0x74: {  	_ =	shalt  }
0x75: {  	_ =	shalt  }
0x76: {  	_ =	shalt  }
0x77: {  	_ =	shalt  }
0x78: {  	_ =	shalt  }
0x79: {  	_ =	shalt  }
0x7a: {  	_ =	shalt  }
0x7b: {  	_ =	shalt  }
0x7c: {  	_ =	shalt  }
0x7d: {  	_ =	shalt  }
0x7e: {  	_ =	shalt  }
0x7f: {  	_ =	shalt  }
0x80: {  	_ =	shalt  }
0x81: {  	_ =	shalt  }
0x82: {  	_ =	shalt  }
0x83: {  	_ =	shalt  }
0x84: {  	_ =	shalt  }
0x85: {  	_ =	shalt  }
0x86: {  	_ =	shalt  }
0x87: {  	_ =	shalt  }
.Lfunc_end0:
.L_simem_size_0:
called_computation.1_lowered:
.L_overlay_start_0:
0x88: {  	s2 =	sld [smem:$0x3FD9]  }
0x89: {  	s3 =	sld [smem:$0x3FFE];
	_ =	sdelay $0x1  }
0x8a: {  	s1 =	srdreg.scid  }
0x8b: {  	s0 =	sand.u32 $0x1, s1  }
0x8c: {  	s16 =	sshll.u32 s0, $0xA;
	s2 =	sadd.s32 s3, s2  }
0x8d: {  	s2 =	sadd.s32 s2, s16  }
0x8e: {  	[smem:$0x3FC1] =	sst s2  }
0x8f: {  	_ = 	snop  }
0x90: {  	(tm) =	ssettm $0x1  }
0x91: {  	s17 =	sld [smem:$0x3FFB];
	_ =	sdelay $0x3  }
0x92: {  	_ =	strace s17  }
0x93: {  	s2 =	sld [smem:$0x3FFC];
	_ =	sdelay $0x3  }
0x94: {  	_ =	strace s2  }
0x95: {  	s2 =	sld [smem:$0x3FFD];
	_ =	sdelay $0x3  }
0x96: {  	_ =	strace s2  }
0x97: {  	_ =	strace $0x8FFFFFFF  }
0x98: {  	s18 =	sld [smem:$0x3FDB];
	_ =	sdelay $0x1  }
0x99: {  	s19 =	simm.s32 $_scs_section_size  }
0x9a: {  	s4 =	simm.s32 $_size__tile_overlayer_lowered;
	s5 =	simm.s32 $_tile_overlayer_lowered  }
0x9b: {  	s22 =	simm.s32 $0x1BFF;
	s21 =	sshll.u32 s5, $0x1;
	s2 =	sadd.s32 s19, s18  }
0x9c: {  	s6 =	simm.s32 $0x0;
	s20 =	sshll.u32 s4, $0x1;
	s4 =	sadd.s32 s21, s2  }
0x9d: {  	[timem:s6], [sflag:s22] =	dma.local [hbm:s4], s20  }
0x9e: {  	_ =	swait.ge [sflag:s22], s20  }
0x9f: {  	s3 =	ssub.s32 $0x0, s20;
	[sflag:s22] =	ssyncset.done $0x0  }
0xa0: {  	[sflag:s22] =	ssyncadd.s32 s3;
	_ =	sdelay $0x1  }
0xa1: {  	s23 =	simm.s32 $0x1B8B  }
0xa2: {  	_ =	swait.ge [sflag:s23], $0x1  }
0xa3: {  	[sflag:s23] =	ssyncset.done $0x0  }
0xa4: {  	s25 =	simm.s32 $0x1B8E;
	s24 =	sld [smem:$0x3FFE];
	[sflag:s23] =	ssyncadd.s32 $0xFFFFFFFF  }
0xa5: {  	s26 =	simm.s32 $execute0_lowered;
	[smem:$0x3FD2] =	sst s25  }
0xa6: {  	s4 =	sshll.u32 s26, $0x1;
	_ =	strace $0x80000049;
	[dreg:$0x1] =	wrdreg $0xFFFFFFFF  }
0xa7: {  	s28 =	simm.s32 $_size_execute0_lowered;
	s2 =	sadd.s32 s2, s4;
	[dreg:$0x0] =	wrdreg $0x0  }
0xa8: {  	s4 =	sshll.u32 s28, $0x1;
	[dreg:$0x2] =	wrdreg s2  }
0xa9: {  	[dreg:$0x3] =	wrdreg s4  }
0xaa: {  	[dreg:$0x4] =	wrdreg $0xC0  }
0xab: {  	_ =	task [dreg:s6], $0x5FFFF  }
0xac: {  	[dreg:$0x1] =	wrdreg $0xFFFFFFFF  }
0xad: {  	[dreg:$0x0] =	wrdreg $0x60  }
0xae: {  	[dreg:$0x2] =	wrdreg s24  }
0xaf: {  	[dreg:$0x3] =	wrdreg $0xA8000  }
0xb0: {  	[dreg:$0x4] =	wrdreg $0x9  }
0xb1: {  	_ =	task.clear_ibuf [dreg:s6], $0x5FFFF;
	_ =	strace $0x90000049  }
0xb2: {  	s29 =	simm.s32 $0x9;
	_ =	strace $0x8000004B  }
0xb3: {  	_ =	swait.ge [sflag:s29], $0x1  }
0xb4: {  	[sflag:s29] =	ssyncadd.s32 $0xFFFFFFFF  }
0xb5: {  	_ =	strace $0x9000004B  }
0xb6: {  	_ =	sfence  }
0xb7: {  	s30 =	sld [smem:$0x0];
	_ =	sdelay $0x2  }
0xb8: {  	s31 =	sshll.u32 s1, $0xD;
	s1 =	sshrl.u32 s1, $0x2  }
0xb9: {  	s3 =	sand.u32 $0x4000, s31;
	s1 =	sadd.s32 s1, s30  }
0xba: {  	s0 =	sor.u32 s3, s0;
	s1 =	sshll.u32 s1, $0x11  }
0xbb: {  	s0 =	sor.u32 s1, s0  }
0xbc: {  	s0 =	sadd.s32 $0x8F2B, s0  }
0xbd: {  	[sflag:s0] =	ssyncadd.remote.s32 $0x1  }
0xbe: {  	_ =	sfence.sel $0xFFFF  }
0xbf: {  	[dreg:$0x0] =	wrdreg $0xFFFFFFFF;
	(pc) =	sbr.abs _section_cstart, $3  }
0xc0: {  	[dreg:$0x1] =	wrdreg $0xFFFFFFFF  }
0xc1: {  	_ =	task.clear_ibuf [dreg:s6], $0x2FFFF;
	_ =	strace $0x9FFFFFFF  }
0xc2: {  	(tm) =	ssettm $0x7FFFFFFF  }
0xc3: {  	_ =	shalt  }
tec
execute0_lowered:
.L_overlay_start_1:
0x0: {  	(tag) =	ssettag $0x1  }
0x1: {  	s0 =	rddreg [dreg:$0x0]  }
0x2: {  	s1 =	rddreg [dreg:$0x1];
	s2 =	simm.s32 $0x0;
	s5 =	srdreg.scid  }
0x3: {  	s11 =	stileid.u32;
	s28 =	simm.s32 $0x1;
	s29 =	simm.s32 $0x2  }
0x4: {  	s30 =	simm.s32 $0x1380;
	s31 =	simm.s32 $0x2700;
	[smem:$0x7FF] =	sst s2  }
0x5: {  	s3 =	sadd.s32 $0x34A00, s0;
	s4 =	sadd.s32 $0x5BC00, s0;
	s8 =	sadd.s32 $0x8200, s0  }
0x6: {  	s7 =	sand.u32 $0x1, s5;
	s10 =	sadd.s32 $0x3200, s0;
	s12 =	smul.u32 $0x4E000, s11  }
0x7: {  	s19 =	sadd.s32 $0x82E00, s0;
	s14 =	smul.u32 $0x2700, s11;
	s6 =	sadd.s32 $0xAA000, s0  }
0x8: {  	s22 =	sadd.s32 $0x5BA00, s0;
	s23 =	smul.u32 $0x500, s11;
	s0 =	sadd.s32 $0x82C00, s0  }
0x9: {  	p1 =	sne.s32 s11, $0x0;
	_ =	strace $0x8000004A;
	[dreg:$0x5] =	wrdreg s22  }
0xa: {  	p2 =	seq.s32 s11, $0x0;
	s9 =	ssub.s32 $0x2, s7;
	[dreg:$0x3] =	wrdreg s19  }
0xb: {  	p0 =	seq.s32 s7, $0x1;
	[dreg:$0x8] =	wrdreg s0;
	s22 =	simm.s32 $0x3  }
0xc: {  	s0 =	simm.s32 $0x2780;
	s13 =	sshrl.u32 s9, $0x1;
	s20 =	sshrl.u32 s12, $0x2  }
0xd: {  	s21 =	sadd.s32 s3, s14;
	s5 =	sadd.s32 s19, s14;
	s24 =	sadd.s32 s4, s14  }
0xe: {  	s25 =	sadd.s32 s6, s14;
	s26 =	sadd.s32 $0x280, s23;
	s16 =	sadd.s32 s8, s23  }
0xf: {  	s17 =	sadd.s32 s10, s23;
	s23 =	simm.s32 $0x1400;
	[dreg:$0x4] =	wrdreg s21  }
.Ltmp0:
0x10: {  	s15 =	ssub.s32 s9, s13;
	[dreg:$0x6] =	wrdreg s5;
	(pc) =	sbr.rel .LBB2_1-.Ltmp0, $4  }
0x11: {  	s7 =	sadd.s32 s20, s1;
	s9 =	sadd.s32 $0x138000, s1;
	[dreg:$0x7] =	wrdreg s24  }
0x12: {  	[dreg:$0x9] =	wrdreg s25;
	s18 =	sadd.s32 s8, s26;
	s19 =	sadd.s32 s10, s26  }
0x13: {  	s20 =	sshll.u32 s11, $0x6;
	s24 =	simm.s32 $0x80;
	s25 =	simm.s32 $0x2800  }
0x14: {  	s26 =	simm.s32 $0x6800;
	s15 =	smax.u32 s15, $0x1;
	s10 =	sor.u32 $0x1C03, s20  }
.LBB2_12:
0x15: {  	s5 =	sadd.s32 $0x27000, s8;
	s14 =	sshrl.u32 s9, $0x3  }
0x16: {  	[hbm:s5], [sflag:s21] =	dma.local [spmem:s14], $0x100  }
0x17: {  	_ =	swait.ge [sflag:s22], $0x100  }
0x18: {  	[sflag:s22] =	ssyncset.done $0x0  }
0x19: {  	[sflag:s22] =	ssyncadd.s32 $0xFFFFFF00  }
.LBB2_13:
0x1a: {  	s2 =	sadd.s32 $0x1, s2  }
0x1b: {  	p3 =	sne.s32 s2, s15  }
.Ltmp1:
0x1c: {  	_ = 	snop;
	(pc) =	sbr.rel @!p3 .LBB2_14-.Ltmp1, $1  }
0x1d: {  	_ =	sdelay $0x3  }
.LBB2_1:
.Ltmp2:
0x1e: {  	(pc) =	sbr.rel @!p0 .LBB2_2-.Ltmp2, $2  }
0x1f: {  	_ =	sdelay $0x2  }
0x20: {  	s8 =	sshrl.u32 s7, $0x3;
	s11 =	sshrl.u32 @!p1 s9, $0x3  }
0x21: {  	s5 =	rddreg [dreg:$0x7]  }
0x22: {  	[spmem:s8], [sflag:s10] =	dma.local [hbm:s5], $0x2700  }
0x23: {  	_ =	swait.ge [sflag:s22], $0x2700  }
0x24: {  	[sflag:s22] =	ssyncset.done $0x0  }
0x25: {  	s5 =	rddreg [dreg:$0x8];
	[sflag:s22] =	ssyncadd.s32 $0xFFFFD900  }
0x26: {  	[spmem:s11], [sflag:s10] =	dma.local @!p1 [hbm:s5], $0x100  }
0x27: {  	s5 =	simm.s32 @!p1 $0x3  }
0x28: {  	_ =	swait.ge @!p1 [sflag:s5], $0x100  }
0x29: {  	[sflag:s5] =	ssyncset.done @!p1 $0x0  }
0x2a: {  	[sflag:s5] =	ssyncadd.s32 @!p1 $0xFFFFFF00  }
0x2b: {  	s11 =	simm.s32 $0x0;
	[bflag:$0x0] =	sbarrier.arrive $0xFFFF  }
0x2c: {  	[tilespmem:s11], [sflag:$0x3] =	stream.linear.gather [hbm4b:s16+s11], $0x1400, $0x38;
	[tilespmem:$0x1E100] =	vst v63  }
0x2d: {  	_ =	swait.ge [sflag:s22], $0x1400  }
0x2e: {  	[sflag:s22] =	ssyncset.done $0x0  }
0x2f: {  	[sflag:s22] =	ssyncadd.s32 $0xFFFFEC00  }
0x30: {  	[tilespmem:s23], [sflag:$0x3] =	stream.linear.gather [hbm4b:s17+s11], $0x1400, $0x38;
	[tilespmem:$0x1E100] =	vst v63  }
0x31: {  	_ =	swait.ge [sflag:s22], $0x1400  }
0x32: {  	[sflag:s22] =	ssyncset.done $0x0  }
0x33: {  	[sflag:s22] =	ssyncadd.s32 $0xFFFFEC00  }
0x34: {  	[tilespmem:s25], [sflag:$0x1] =	stream.indirect.gather [hbm4b:s4+s24], $0x80, s11, s24, $0xb8;
	[tilespmem:$0x1E100] =	vst v63  }
0x35: {  	s12 =	simm.s32 $0x80  }
0x36: {  	[tilespmem:s26], [sflag:$0x2] =	stream.indirect.gather [hbm4b:s4+s24], $0x80, s12, s24, $0xb8;
	[tilespmem:$0x1E100] =	vst v63  }
0x37: {  	_ =	swait.ge [sflag:s28], $0x4000  }
0x38: {  	[sflag:s28] =	ssyncset.done $0x0  }
0x39: {  	s13 =	simm.s32 $0x1400;
	[sflag:s28] =	ssyncadd.s32 $0xFFFFC000  }
0x3a: {  	[spmem:s1] =	stream.indirect.scatter.add.f32 [tilespmem:s25], [sflag:$0x3], $0x80, s13, s24, $0xb8;
	[tilespmem:$0x1E100] =	vst v63  }
0x3b: {  	_ =	swait.ge [sflag:s22], $0x4000  }
0x3c: {  	[sflag:s22] =	ssyncset.done $0x0  }
0x3d: {  	s14 =	simm.s32 $0x100;
	[sflag:s22] =	ssyncadd.s32 $0xFFFFC000  }
0x3e: {  	[tilespmem:s25], [sflag:$0x1] =	stream.indirect.gather [hbm4b:s4+s24], $0x80, s14, s24, $0xb8;
	[tilespmem:$0x1E100] =	vst v63  }
0x3f: {  	_ =	swait.ge [sflag:s29], $0x4000  }
0x40: {  	[sflag:s29] =	ssyncset.done $0x0  }
0x41: {  	s21 =	simm.s32 $0x1480;
	[sflag:s29] =	ssyncadd.s32 $0xFFFFC000  }
0x42: {  	[spmem:s1] =	stream.indirect.scatter.add.f32 [tilespmem:s26], [sflag:$0x3], $0x80, s21, s24, $0xb8;
	[tilespmem:$0x1E100] =	vst v63  }
0x43: {  	_ =	swait.ge [sflag:s22], $0x4000  }
0x44: {  	s11 =	simm.s32 $0x100;
	s12 =	simm.s32 $0x800;
	[sflag:s22] =	ssyncset.done $0x0  }
.LBB2_8:
0x45: {  	s5 =	sadd.s32 $0x80, s11  }
0x46: {  	[sflag:s22] =	ssyncadd.s32 $0xFFFFC000;
	s13 =	smov.u32 s12;
	s14 =	sadd.s32 $0x400, s12  }
0x47: {  	[tilespmem:s26], [sflag:$0x2] =	stream.indirect.gather [hbm4b:s4+s24], $0x80, s5, s24, $0xb8;
	[tilespmem:$0x1E100] =	vst v63  }
0x48: {  	p3 =	sne.s32 s12, $0x4800;
	_ =	swait.ge [sflag:s28], $0x4000  }
0x49: {  	[sflag:s28] =	ssyncset.done $0x0  }
0x4a: {  	s5 =	sadd.s32 $0x1400, s11;
	[sflag:s28] =	ssyncadd.s32 $0xFFFFC000  }
0x4b: {  	[spmem:s1] =	stream.indirect.scatter.add.f32 [tilespmem:s25], [sflag:$0x3], $0x80, s5, s24, $0xb8;
	[tilespmem:$0x1E100] =	vst v63  }
0x4c: {  	_ =	swait.ge [sflag:s22], $0x4000  }
0x4d: {  	[sflag:s22] =	ssyncset.done $0x0  }
0x4e: {  	s5 =	sadd.s32 $0x100, s11;
	[sflag:s22] =	ssyncadd.s32 $0xFFFFC000  }
0x4f: {  	[tilespmem:s25], [sflag:$0x1] =	stream.indirect.gather [hbm4b:s4+s24], $0x80, s5, s24, $0xb8;
	[tilespmem:$0x1E100] =	vst v63  }
0x50: {  	_ =	swait.ge [sflag:s29], $0x4000  }
.Ltmp3:
0x51: {  	[sflag:s29] =	ssyncset.done $0x0;
	(pc) =	sbr.rel @p3 .LBB2_8-.Ltmp3, $4  }
0x52: {  	s5 =	sadd.s32 $0x1480, s11;
	[sflag:s29] =	ssyncadd.s32 $0xFFFFC000  }
0x53: {  	[spmem:s1] =	stream.indirect.scatter.add.f32 [tilespmem:s26], [sflag:$0x3], $0x80, s5, s24, $0xb8;
	[tilespmem:$0x1E100] =	vst v63  }
0x54: {  	_ =	swait.ge [sflag:s22], $0x4000  }
0x55: {  	s12 =	smov.u32 s14;
	s11 =	sshra.s32 s13, $0x2;
	[sflag:s22] =	ssyncset.done $0x0  }
0x56: {  	s5 =	sadd.s32 $0x80, s11;
	[sflag:s22] =	ssyncadd.s32 $0xFFFFC000  }
0x57: {  	[tilespmem:s26], [sflag:$0x2] =	stream.indirect.gather [hbm4b:s4+s24], $0x80, s5, s24, $0xb8;
	[tilespmem:$0x1E100] =	vst v63  }
0x58: {  	_ =	swait.ge [sflag:s28], $0x4000  }
0x59: {  	[sflag:s28] =	ssyncset.done $0x0  }
0x5a: {  	s13 =	sadd.s32 $0x1400, s11;
	[sflag:s28] =	ssyncadd.s32 $0xFFFFC000  }
0x5b: {  	[spmem:s1] =	stream.indirect.scatter.add.f32 [tilespmem:s25], [sflag:$0x3], $0x80, s13, s24, $0xb8;
	[tilespmem:$0x1E100] =	vst v63  }
0x5c: {  	_ =	swait.ge [sflag:s22], $0x4000  }
0x5d: {  	[sflag:s22] =	ssyncset.done $0x0  }
0x5e: {  	s14 =	sadd.s32 $0x100, s11;
	[sflag:s22] =	ssyncadd.s32 $0xFFFFC000  }
0x5f: {  	[tilespmem:s25], [sflag:$0x1] =	stream.indirect.gather [hbm4b:s4+s24], $0x80, s14, s24, $0xb8;
	[tilespmem:$0x1E100] =	vst v63  }
0x60: {  	_ =	swait.ge [sflag:s29], $0x4000  }
0x61: {  	[sflag:s29] =	ssyncset.done $0x0  }
0x62: {  	s21 =	sadd.s32 $0x1480, s11;
	[sflag:s29] =	ssyncadd.s32 $0xFFFFC000  }
0x63: {  	[spmem:s1] =	stream.indirect.scatter.add.f32 [tilespmem:s26], [sflag:$0x3], $0x80, s21, s24, $0xb8;
	[tilespmem:$0x1E100] =	vst v63  }
0x64: {  	_ =	swait.ge [sflag:s22], $0x4000  }
0x65: {  	[sflag:s22] =	ssyncset.done $0x0  }
0x66: {  	[sflag:s22] =	ssyncadd.s32 $0xFFFFC000  }
0x67: {  	[tilespmem:s26], [sflag:$0x2] =	stream.indirect.gather [hbm4b:s4+s24], $0x80, s30, s24, $0xb8;
	[tilespmem:$0x1E100] =	vst v63  }
0x68: {  	_ =	swait.ge [sflag:s28], $0x4000  }
0x69: {  	[sflag:s28] =	ssyncset.done $0x0  }
0x6a: {  	[sflag:s28] =	ssyncadd.s32 $0xFFFFC000  }
0x6b: {  	[spmem:s1] =	stream.indirect.scatter.add.f32 [tilespmem:s25], [sflag:$0x3], $0x80, s31, s24, $0xb8;
	[tilespmem:$0x1E100] =	vst v63  }
0x6c: {  	_ =	swait.ge [sflag:s22], $0x4000  }
0x6d: {  	[sflag:s22] =	ssyncset.done $0x0  }
0x6e: {  	[sflag:s22] =	ssyncadd.s32 $0xFFFFC000  }
0x6f: {  	_ =	swait.ge [sflag:s29], $0x4000  }
0x70: {  	[sflag:s29] =	ssyncset.done $0x0  }
0x71: {  	[sflag:s29] =	ssyncadd.s32 $0xFFFFC000  }
0x72: {  	[spmem:s1] =	stream.indirect.scatter.add.f32 [tilespmem:s26], [sflag:$0x3], $0x80, s0, s24, $0xb8;
	[tilespmem:$0x1E100] =	vst v63  }
0x73: {  	_ =	swait.ge [sflag:s22], $0x4000  }
0x74: {  	[sflag:s22] =	ssyncset.done $0x0  }
0x75: {  	s11 =	simm.s32 $0x0;
	[sflag:s22] =	ssyncadd.s32 $0xFFFFC000  }
0x76: {  	[tilespmem:s11], [sflag:$0x3] =	stream.linear.gather [hbm4b:s18+s11], $0x1400, $0x38;
	[tilespmem:$0x1E100] =	vst v63  }
0x77: {  	_ =	swait.ge [sflag:s22], $0x1400  }
0x78: {  	[sflag:s22] =	ssyncset.done $0x0  }
0x79: {  	[sflag:s22] =	ssyncadd.s32 $0xFFFFEC00  }
0x7a: {  	[tilespmem:s23], [sflag:$0x3] =	stream.linear.gather [hbm4b:s19+s11], $0x1400, $0x38;
	[tilespmem:$0x1E100] =	vst v63  }
0x7b: {  	_ =	swait.ge [sflag:s22], $0x1400  }
0x7c: {  	[sflag:s22] =	ssyncset.done $0x0  }
0x7d: {  	[sflag:s22] =	ssyncadd.s32 $0xFFFFEC00  }
0x7e: {  	[tilespmem:s25], [sflag:$0x1] =	stream.indirect.gather [hbm4b:s4+s24], $0x80, s11, s24, $0xb8;
	[tilespmem:$0x1E100] =	vst v63  }
0x7f: {  	s12 =	simm.s32 $0x80  }
0x80: {  	[tilespmem:s26], [sflag:$0x2] =	stream.indirect.gather [hbm4b:s4+s24], $0x80, s12, s24, $0xb8;
	[tilespmem:$0x1E100] =	vst v63  }
0x81: {  	_ =	swait.ge [sflag:s28], $0x4000  }
0x82: {  	[sflag:s28] =	ssyncset.done $0x0  }
0x83: {  	s13 =	simm.s32 $0x1400;
	[sflag:s28] =	ssyncadd.s32 $0xFFFFC000  }
0x84: {  	[spmem:s1] =	stream.indirect.scatter.add.f32 [tilespmem:s25], [sflag:$0x3], $0x80, s13, s24, $0xb8;
	[tilespmem:$0x1E100] =	vst v63  }
0x85: {  	_ =	swait.ge [sflag:s22], $0x4000  }
0x86: {  	[sflag:s22] =	ssyncset.done $0x0  }
0x87: {  	s14 =	simm.s32 $0x100;
	[sflag:s22] =	ssyncadd.s32 $0xFFFFC000  }
0x88: {  	[tilespmem:s25], [sflag:$0x1] =	stream.indirect.gather [hbm4b:s4+s24], $0x80, s14, s24, $0xb8;
	[tilespmem:$0x1E100] =	vst v63  }
0x89: {  	_ =	swait.ge [sflag:s29], $0x4000  }
0x8a: {  	[sflag:s29] =	ssyncset.done $0x0  }
0x8b: {  	s21 =	simm.s32 $0x1480;
	[sflag:s29] =	ssyncadd.s32 $0xFFFFC000  }
0x8c: {  	[spmem:s1] =	stream.indirect.scatter.add.f32 [tilespmem:s26], [sflag:$0x3], $0x80, s21, s24, $0xb8;
	[tilespmem:$0x1E100] =	vst v63  }
0x8d: {  	_ =	swait.ge [sflag:s22], $0x4000  }
0x8e: {  	s11 =	simm.s32 $0x100;
	s12 =	simm.s32 $0x800;
	[sflag:s22] =	ssyncset.done $0x0  }
.LBB2_10:
0x8f: {  	s5 =	sadd.s32 $0x80, s11  }
0x90: {  	[sflag:s22] =	ssyncadd.s32 $0xFFFFC000;
	s13 =	smov.u32 s12;
	s14 =	sadd.s32 $0x400, s12  }
0x91: {  	[tilespmem:s26], [sflag:$0x2] =	stream.indirect.gather [hbm4b:s4+s24], $0x80, s5, s24, $0xb8;
	[tilespmem:$0x1E100] =	vst v63  }
0x92: {  	p3 =	sne.s32 s12, $0x4800;
	_ =	swait.ge [sflag:s28], $0x4000  }
0x93: {  	[sflag:s28] =	ssyncset.done $0x0  }
0x94: {  	s5 =	sadd.s32 $0x1400, s11;
	[sflag:s28] =	ssyncadd.s32 $0xFFFFC000  }
0x95: {  	[spmem:s1] =	stream.indirect.scatter.add.f32 [tilespmem:s25], [sflag:$0x3], $0x80, s5, s24, $0xb8;
	[tilespmem:$0x1E100] =	vst v63  }
0x96: {  	_ =	swait.ge [sflag:s22], $0x4000  }
0x97: {  	[sflag:s22] =	ssyncset.done $0x0  }
0x98: {  	s5 =	sadd.s32 $0x100, s11;
	[sflag:s22] =	ssyncadd.s32 $0xFFFFC000  }
0x99: {  	[tilespmem:s25], [sflag:$0x1] =	stream.indirect.gather [hbm4b:s4+s24], $0x80, s5, s24, $0xb8;
	[tilespmem:$0x1E100] =	vst v63  }
0x9a: {  	_ =	swait.ge [sflag:s29], $0x4000  }
.Ltmp4:
0x9b: {  	[sflag:s29] =	ssyncset.done $0x0;
	(pc) =	sbr.rel @p3 .LBB2_10-.Ltmp4, $4  }
0x9c: {  	s5 =	sadd.s32 $0x1480, s11;
	[sflag:s29] =	ssyncadd.s32 $0xFFFFC000  }
0x9d: {  	[spmem:s1] =	stream.indirect.scatter.add.f32 [tilespmem:s26], [sflag:$0x3], $0x80, s5, s24, $0xb8;
	[tilespmem:$0x1E100] =	vst v63  }
0x9e: {  	_ =	swait.ge [sflag:s22], $0x4000  }
0x9f: {  	s12 =	smov.u32 s14;
	s11 =	sshra.s32 s13, $0x2;
	[sflag:s22] =	ssyncset.done $0x0  }
0xa0: {  	s5 =	sadd.s32 $0x80, s11;
	[sflag:s22] =	ssyncadd.s32 $0xFFFFC000  }
0xa1: {  	[tilespmem:s26], [sflag:$0x2] =	stream.indirect.gather [hbm4b:s4+s24], $0x80, s5, s24, $0xb8;
	[tilespmem:$0x1E100] =	vst v63  }
0xa2: {  	_ =	swait.ge [sflag:s28], $0x4000  }
0xa3: {  	[sflag:s28] =	ssyncset.done $0x0  }
0xa4: {  	s12 =	sadd.s32 $0x1400, s11;
	[sflag:s28] =	ssyncadd.s32 $0xFFFFC000  }
0xa5: {  	[spmem:s1] =	stream.indirect.scatter.add.f32 [tilespmem:s25], [sflag:$0x3], $0x80, s12, s24, $0xb8;
	[tilespmem:$0x1E100] =	vst v63  }
0xa6: {  	_ =	swait.ge [sflag:s22], $0x4000  }
0xa7: {  	[sflag:s22] =	ssyncset.done $0x0  }
0xa8: {  	s13 =	sadd.s32 $0x100, s11;
	[sflag:s22] =	ssyncadd.s32 $0xFFFFC000  }
0xa9: {  	[tilespmem:s25], [sflag:$0x1] =	stream.indirect.gather [hbm4b:s4+s24], $0x80, s13, s24, $0xb8;
	[tilespmem:$0x1E100] =	vst v63  }
0xaa: {  	_ =	swait.ge [sflag:s29], $0x4000  }
0xab: {  	[sflag:s29] =	ssyncset.done $0x0  }
0xac: {  	s14 =	sadd.s32 $0x1480, s11;
	[sflag:s29] =	ssyncadd.s32 $0xFFFFC000  }
0xad: {  	[spmem:s1] =	stream.indirect.scatter.add.f32 [tilespmem:s26], [sflag:$0x3], $0x80, s14, s24, $0xb8;
	[tilespmem:$0x1E100] =	vst v63  }
0xae: {  	_ =	swait.ge [sflag:s22], $0x4000  }
0xaf: {  	[sflag:s22] =	ssyncset.done $0x0  }
0xb0: {  	[sflag:s22] =	ssyncadd.s32 $0xFFFFC000  }
0xb1: {  	[tilespmem:s26], [sflag:$0x2] =	stream.indirect.gather [hbm4b:s4+s24], $0x80, s30, s24, $0xb8;
	[tilespmem:$0x1E100] =	vst v63  }
0xb2: {  	_ =	swait.ge [sflag:s28], $0x4000  }
0xb3: {  	[sflag:s28] =	ssyncset.done $0x0  }
0xb4: {  	[sflag:s28] =	ssyncadd.s32 $0xFFFFC000  }
0xb5: {  	[spmem:s1] =	stream.indirect.scatter.add.f32 [tilespmem:s25], [sflag:$0x3], $0x80, s31, s24, $0xb8;
	[tilespmem:$0x1E100] =	vst v63  }
0xb6: {  	_ =	swait.ge [sflag:s22], $0x4000  }
0xb7: {  	[sflag:s22] =	ssyncset.done $0x0  }
0xb8: {  	[sflag:s22] =	ssyncadd.s32 $0xFFFFC000  }
0xb9: {  	_ =	swait.ge [sflag:s29], $0x4000  }
0xba: {  	[sflag:s29] =	ssyncset.done $0x0  }
0xbb: {  	[sflag:s29] =	ssyncadd.s32 $0xFFFFC000  }
0xbc: {  	[spmem:s1] =	stream.indirect.scatter.add.f32 [tilespmem:s26], [sflag:$0x3], $0x80, s0, s24, $0xb8;
	[tilespmem:$0x1E100] =	vst v63  }
0xbd: {  	_ =	swait.ge [sflag:s22], $0x4000  }
0xbe: {  	[sflag:s22] =	ssyncset.done $0x0  }
0xbf: {  	[sflag:s22] =	ssyncadd.s32 $0xFFFFC000  }
0xc0: {  	[bflag:$0x0] =	sbarrier.arrive $0xFFFF  }
0xc1: {  	s21 =	rddreg [dreg:$0x9]  }
0xc2: {  	[hbm:s21], [sflag:s10] =	dma.local [spmem:s8], $0x2700  }
.Ltmp5:
0xc3: {  	_ = 	snop;
	(pc) =	sbr.rel @p1 .LBB2_13-.Ltmp5, $4  }
.Ltmp6:
0xc4: {  	_ = 	snop;
	(pc) =	sbr.rel @!p1 .LBB2_12-.Ltmp6, $4  }
0xc5: {  	_ =	swait.ge [sflag:s22], $0x2700  }
0xc6: {  	[sflag:s22] =	ssyncset.done $0x0  }
0xc7: {  	s8 =	smov.u32 s6;
	s21 =	smov.u32 s10;
	[sflag:s22] =	ssyncadd.s32 $0xFFFFD900  }
0xc8: {  	_ = 	snop  }
.LBB2_2:
0xc9: {  	s21 =	sor.u32 $0x1C03, s20;
	s5 =	rddreg [dreg:$0x4]  }
0xca: {  	[spmem:s8], [sflag:s21] =	dma.local [hbm:s5], $0x2700  }
0xcb: {  	_ =	swait.ge [sflag:s22], $0x2700  }
0xcc: {  	[sflag:s22] =	ssyncset.done $0x0  }
0xcd: {  	s5 =	rddreg [dreg:$0x5];
	[sflag:s22] =	ssyncadd.s32 $0xFFFFD900  }
0xce: {  	[spmem:s11], [sflag:s21] =	dma.local @!p1 [hbm:s5], $0x100  }
0xcf: {  	s11 =	simm.s32 @!p1 $0x3  }
0xd0: {  	_ =	swait.ge @!p1 [sflag:s11], $0x100  }
0xd1: {  	[sflag:s11] =	ssyncset.done @!p1 $0x0  }
0xd2: {  	[sflag:s11] =	ssyncadd.s32 @!p1 $0xFFFFFF00  }
0xd3: {  	s14 =	simm.s32 $0x0;
	[bflag:$0x0] =	sbarrier.arrive $0xFFFF  }
0xd4: {  	[tilespmem:s14], [sflag:$0x3] =	stream.linear.gather [hbm4b:s16+s14], $0x1400, $0x38;
	[tilespmem:$0x1E100] =	vst v63  }
0xd5: {  	_ =	swait.ge [sflag:s22], $0x1400  }
0xd6: {  	[sflag:s22] =	ssyncset.done $0x0  }
0xd7: {  	[sflag:s22] =	ssyncadd.s32 $0xFFFFEC00  }
0xd8: {  	[tilespmem:s23], [sflag:$0x3] =	stream.linear.gather [hbm4b:s17+s14], $0x1400, $0x38;
	[tilespmem:$0x1E100] =	vst v63  }
0xd9: {  	_ =	swait.ge [sflag:s22], $0x1400  }
0xda: {  	[sflag:s22] =	ssyncset.done $0x0  }
0xdb: {  	[sflag:s22] =	ssyncadd.s32 $0xFFFFEC00  }
0xdc: {  	[tilespmem:s25], [sflag:$0x1] =	stream.indirect.gather [hbm4b:s3+s24], $0x80, s14, s24, $0xb8;
	[tilespmem:$0x1E100] =	vst v63  }
0xdd: {  	s5 =	simm.s32 $0x80  }
0xde: {  	[tilespmem:s26], [sflag:$0x2] =	stream.indirect.gather [hbm4b:s3+s24], $0x80, s5, s24, $0xb8;
	[tilespmem:$0x1E100] =	vst v63  }
0xdf: {  	_ =	swait.ge [sflag:s28], $0x4000  }
0xe0: {  	[sflag:s28] =	ssyncset.done $0x0  }
0xe1: {  	s12 =	simm.s32 $0x1400;
	[sflag:s28] =	ssyncadd.s32 $0xFFFFC000  }
0xe2: {  	[spmem:s1] =	stream.indirect.scatter.add.f32 [tilespmem:s25], [sflag:$0x3], $0x80, s12, s24, $0xb8;
	[tilespmem:$0x1E100] =	vst v63  }
0xe3: {  	_ =	swait.ge [sflag:s22], $0x4000  }
0xe4: {  	[sflag:s22] =	ssyncset.done $0x0  }
0xe5: {  	s13 =	simm.s32 $0x100;
	[sflag:s22] =	ssyncadd.s32 $0xFFFFC000  }
0xe6: {  	[tilespmem:s25], [sflag:$0x1] =	stream.indirect.gather [hbm4b:s3+s24], $0x80, s13, s24, $0xb8;
	[tilespmem:$0x1E100] =	vst v63  }
0xe7: {  	_ =	swait.ge [sflag:s29], $0x4000  }
0xe8: {  	[sflag:s29] =	ssyncset.done $0x0  }
0xe9: {  	s14 =	simm.s32 $0x1480;
	[sflag:s29] =	ssyncadd.s32 $0xFFFFC000  }
0xea: {  	[spmem:s1] =	stream.indirect.scatter.add.f32 [tilespmem:s26], [sflag:$0x3], $0x80, s14, s24, $0xb8;
	[tilespmem:$0x1E100] =	vst v63  }
0xeb: {  	_ =	swait.ge [sflag:s22], $0x4000  }
0xec: {  	s11 =	simm.s32 $0x100;
	s12 =	simm.s32 $0x800;
	[sflag:s22] =	ssyncset.done $0x0  }
.LBB2_3:
0xed: {  	s13 =	sadd.s32 $0x80, s11  }
0xee: {  	[sflag:s22] =	ssyncadd.s32 $0xFFFFC000;
	s14 =	smov.u32 s12;
	s5 =	sadd.s32 $0x400, s12  }
0xef: {  	[tilespmem:s26], [sflag:$0x2] =	stream.indirect.gather [hbm4b:s3+s24], $0x80, s13, s24, $0xb8;
	[tilespmem:$0x1E100] =	vst v63  }
0xf0: {  	p3 =	sne.s32 s12, $0x4800;
	_ =	swait.ge [sflag:s28], $0x4000  }
0xf1: {  	[sflag:s28] =	ssyncset.done $0x0  }
0xf2: {  	s12 =	sadd.s32 $0x1400, s11;
	[sflag:s28] =	ssyncadd.s32 $0xFFFFC000  }
0xf3: {  	[spmem:s1] =	stream.indirect.scatter.add.f32 [tilespmem:s25], [sflag:$0x3], $0x80, s12, s24, $0xb8;
	[tilespmem:$0x1E100] =	vst v63  }
0xf4: {  	_ =	swait.ge [sflag:s22], $0x4000  }
0xf5: {  	[sflag:s22] =	ssyncset.done $0x0  }
0xf6: {  	s12 =	sadd.s32 $0x100, s11;
	[sflag:s22] =	ssyncadd.s32 $0xFFFFC000  }
0xf7: {  	[tilespmem:s25], [sflag:$0x1] =	stream.indirect.gather [hbm4b:s3+s24], $0x80, s12, s24, $0xb8;
	[tilespmem:$0x1E100] =	vst v63  }
0xf8: {  	_ =	swait.ge [sflag:s29], $0x4000  }
.Ltmp7:
0xf9: {  	[sflag:s29] =	ssyncset.done $0x0;
	(pc) =	sbr.rel @p3 .LBB2_3-.Ltmp7, $4  }
0xfa: {  	s11 =	sadd.s32 $0x1480, s11;
	[sflag:s29] =	ssyncadd.s32 $0xFFFFC000  }
0xfb: {  	[spmem:s1] =	stream.indirect.scatter.add.f32 [tilespmem:s26], [sflag:$0x3], $0x80, s11, s24, $0xb8;
	[tilespmem:$0x1E100] =	vst v63  }
0xfc: {  	_ =	swait.ge [sflag:s22], $0x4000  }
0xfd: {  	s12 =	smov.u32 s5;
	s11 =	sshra.s32 s14, $0x2;
	[sflag:s22] =	ssyncset.done $0x0  }
0xfe: {  	s5 =	sadd.s32 $0x80, s11;
	[sflag:s22] =	ssyncadd.s32 $0xFFFFC000  }
0xff: {  	[tilespmem:s26], [sflag:$0x2] =	stream.indirect.gather [hbm4b:s3+s24], $0x80, s5, s24, $0xb8;
	[tilespmem:$0x1E100] =	vst v63  }
0x100: {  	_ =	swait.ge [sflag:s28], $0x4000  }
0x101: {  	[sflag:s28] =	ssyncset.done $0x0  }
0x102: {  	s14 =	sadd.s32 $0x1400, s11;
	[sflag:s28] =	ssyncadd.s32 $0xFFFFC000  }
0x103: {  	[spmem:s1] =	stream.indirect.scatter.add.f32 [tilespmem:s25], [sflag:$0x3], $0x80, s14, s24, $0xb8;
	[tilespmem:$0x1E100] =	vst v63  }
0x104: {  	_ =	swait.ge [sflag:s22], $0x4000  }
0x105: {  	[sflag:s22] =	ssyncset.done $0x0  }
0x106: {  	s12 =	sadd.s32 $0x100, s11;
	[sflag:s22] =	ssyncadd.s32 $0xFFFFC000  }
0x107: {  	[tilespmem:s25], [sflag:$0x1] =	stream.indirect.gather [hbm4b:s3+s24], $0x80, s12, s24, $0xb8;
	[tilespmem:$0x1E100] =	vst v63  }
0x108: {  	_ =	swait.ge [sflag:s29], $0x4000  }
0x109: {  	[sflag:s29] =	ssyncset.done $0x0  }
0x10a: {  	s13 =	sadd.s32 $0x1480, s11;
	[sflag:s29] =	ssyncadd.s32 $0xFFFFC000  }
0x10b: {  	[spmem:s1] =	stream.indirect.scatter.add.f32 [tilespmem:s26], [sflag:$0x3], $0x80, s13, s24, $0xb8;
	[tilespmem:$0x1E100] =	vst v63  }
0x10c: {  	_ =	swait.ge [sflag:s22], $0x4000  }
0x10d: {  	[sflag:s22] =	ssyncset.done $0x0  }
0x10e: {  	[sflag:s22] =	ssyncadd.s32 $0xFFFFC000  }
0x10f: {  	[tilespmem:s26], [sflag:$0x2] =	stream.indirect.gather [hbm4b:s3+s24], $0x80, s30, s24, $0xb8;
	[tilespmem:$0x1E100] =	vst v63  }
0x110: {  	_ =	swait.ge [sflag:s28], $0x4000  }
0x111: {  	[sflag:s28] =	ssyncset.done $0x0  }
0x112: {  	[sflag:s28] =	ssyncadd.s32 $0xFFFFC000  }
0x113: {  	[spmem:s1] =	stream.indirect.scatter.add.f32 [tilespmem:s25], [sflag:$0x3], $0x80, s31, s24, $0xb8;
	[tilespmem:$0x1E100] =	vst v63  }
0x114: {  	_ =	swait.ge [sflag:s22], $0x4000  }
0x115: {  	[sflag:s22] =	ssyncset.done $0x0  }
0x116: {  	[sflag:s22] =	ssyncadd.s32 $0xFFFFC000  }
0x117: {  	_ =	swait.ge [sflag:s29], $0x4000  }
0x118: {  	[sflag:s29] =	ssyncset.done $0x0  }
0x119: {  	[sflag:s29] =	ssyncadd.s32 $0xFFFFC000  }
0x11a: {  	[spmem:s1] =	stream.indirect.scatter.add.f32 [tilespmem:s26], [sflag:$0x3], $0x80, s0, s24, $0xb8;
	[tilespmem:$0x1E100] =	vst v63  }
0x11b: {  	_ =	swait.ge [sflag:s22], $0x4000  }
0x11c: {  	[sflag:s22] =	ssyncset.done $0x0  }
0x11d: {  	s14 =	simm.s32 $0x0;
	[sflag:s22] =	ssyncadd.s32 $0xFFFFC000  }
0x11e: {  	[tilespmem:s14], [sflag:$0x3] =	stream.linear.gather [hbm4b:s18+s14], $0x1400, $0x38;
	[tilespmem:$0x1E100] =	vst v63  }
0x11f: {  	_ =	swait.ge [sflag:s22], $0x1400  }
0x120: {  	[sflag:s22] =	ssyncset.done $0x0  }
0x121: {  	[sflag:s22] =	ssyncadd.s32 $0xFFFFEC00  }
0x122: {  	[tilespmem:s23], [sflag:$0x3] =	stream.linear.gather [hbm4b:s19+s14], $0x1400, $0x38;
	[tilespmem:$0x1E100] =	vst v63  }
0x123: {  	_ =	swait.ge [sflag:s22], $0x1400  }
0x124: {  	[sflag:s22] =	ssyncset.done $0x0  }
0x125: {  	[sflag:s22] =	ssyncadd.s32 $0xFFFFEC00  }
0x126: {  	[tilespmem:s25], [sflag:$0x1] =	stream.indirect.gather [hbm4b:s3+s24], $0x80, s14, s24, $0xb8;
	[tilespmem:$0x1E100] =	vst v63  }
0x127: {  	s11 =	simm.s32 $0x80  }
0x128: {  	[tilespmem:s26], [sflag:$0x2] =	stream.indirect.gather [hbm4b:s3+s24], $0x80, s11, s24, $0xb8;
	[tilespmem:$0x1E100] =	vst v63  }
0x129: {  	_ =	swait.ge [sflag:s28], $0x4000  }
0x12a: {  	[sflag:s28] =	ssyncset.done $0x0  }
0x12b: {  	s12 =	simm.s32 $0x1400;
	[sflag:s28] =	ssyncadd.s32 $0xFFFFC000  }
0x12c: {  	[spmem:s1] =	stream.indirect.scatter.add.f32 [tilespmem:s25], [sflag:$0x3], $0x80, s12, s24, $0xb8;
	[tilespmem:$0x1E100] =	vst v63  }
0x12d: {  	_ =	swait.ge [sflag:s22], $0x4000  }
0x12e: {  	[sflag:s22] =	ssyncset.done $0x0  }
0x12f: {  	s13 =	simm.s32 $0x100;
	[sflag:s22] =	ssyncadd.s32 $0xFFFFC000  }
0x130: {  	[tilespmem:s25], [sflag:$0x1] =	stream.indirect.gather [hbm4b:s3+s24], $0x80, s13, s24, $0xb8;
	[tilespmem:$0x1E100] =	vst v63  }
0x131: {  	_ =	swait.ge [sflag:s29], $0x4000  }
0x132: {  	[sflag:s29] =	ssyncset.done $0x0  }
0x133: {  	s14 =	simm.s32 $0x1480;
	[sflag:s29] =	ssyncadd.s32 $0xFFFFC000  }
0x134: {  	[spmem:s1] =	stream.indirect.scatter.add.f32 [tilespmem:s26], [sflag:$0x3], $0x80, s14, s24, $0xb8;
	[tilespmem:$0x1E100] =	vst v63  }
0x135: {  	_ =	swait.ge [sflag:s22], $0x4000  }
0x136: {  	s11 =	simm.s32 $0x100;
	s12 =	simm.s32 $0x800;
	[sflag:s22] =	ssyncset.done $0x0  }
.LBB2_5:
0x137: {  	s5 =	sadd.s32 $0x80, s11  }
0x138: {  	[sflag:s22] =	ssyncadd.s32 $0xFFFFC000;
	s13 =	smov.u32 s12;
	s14 =	sadd.s32 $0x400, s12  }
0x139: {  	[tilespmem:s26], [sflag:$0x2] =	stream.indirect.gather [hbm4b:s3+s24], $0x80, s5, s24, $0xb8;
	[tilespmem:$0x1E100] =	vst v63  }
0x13a: {  	p3 =	sne.s32 s12, $0x4800;
	_ =	swait.ge [sflag:s28], $0x4000  }
0x13b: {  	[sflag:s28] =	ssyncset.done $0x0  }
0x13c: {  	s5 =	sadd.s32 $0x1400, s11;
	[sflag:s28] =	ssyncadd.s32 $0xFFFFC000  }
0x13d: {  	[spmem:s1] =	stream.indirect.scatter.add.f32 [tilespmem:s25], [sflag:$0x3], $0x80, s5, s24, $0xb8;
	[tilespmem:$0x1E100] =	vst v63  }
0x13e: {  	_ =	swait.ge [sflag:s22], $0x4000  }
0x13f: {  	[sflag:s22] =	ssyncset.done $0x0  }
0x140: {  	s5 =	sadd.s32 $0x100, s11;
	[sflag:s22] =	ssyncadd.s32 $0xFFFFC000  }
0x141: {  	[tilespmem:s25], [sflag:$0x1] =	stream.indirect.gather [hbm4b:s3+s24], $0x80, s5, s24, $0xb8;
	[tilespmem:$0x1E100] =	vst v63  }
0x142: {  	_ =	swait.ge [sflag:s29], $0x4000  }
.Ltmp8:
0x143: {  	[sflag:s29] =	ssyncset.done $0x0;
	(pc) =	sbr.rel @p3 .LBB2_5-.Ltmp8, $4  }
0x144: {  	s5 =	sadd.s32 $0x1480, s11;
	[sflag:s29] =	ssyncadd.s32 $0xFFFFC000  }
0x145: {  	[spmem:s1] =	stream.indirect.scatter.add.f32 [tilespmem:s26], [sflag:$0x3], $0x80, s5, s24, $0xb8;
	[tilespmem:$0x1E100] =	vst v63  }
0x146: {  	_ =	swait.ge [sflag:s22], $0x4000  }
0x147: {  	s12 =	smov.u32 s14;
	s11 =	sshra.s32 s13, $0x2;
	[sflag:s22] =	ssyncset.done $0x0  }
0x148: {  	s5 =	sadd.s32 $0x80, s11;
	[sflag:s22] =	ssyncadd.s32 $0xFFFFC000  }
0x149: {  	[tilespmem:s26], [sflag:$0x2] =	stream.indirect.gather [hbm4b:s3+s24], $0x80, s5, s24, $0xb8;
	[tilespmem:$0x1E100] =	vst v63  }
0x14a: {  	_ =	swait.ge [sflag:s28], $0x4000  }
0x14b: {  	[sflag:s28] =	ssyncset.done $0x0  }
0x14c: {  	s14 =	sadd.s32 $0x1400, s11;
	[sflag:s28] =	ssyncadd.s32 $0xFFFFC000  }
0x14d: {  	[spmem:s1] =	stream.indirect.scatter.add.f32 [tilespmem:s25], [sflag:$0x3], $0x80, s14, s24, $0xb8;
	[tilespmem:$0x1E100] =	vst v63  }
0x14e: {  	_ =	swait.ge [sflag:s22], $0x4000  }
0x14f: {  	[sflag:s22] =	ssyncset.done $0x0  }
0x150: {  	s12 =	sadd.s32 $0x100, s11;
	[sflag:s22] =	ssyncadd.s32 $0xFFFFC000  }
0x151: {  	[tilespmem:s25], [sflag:$0x1] =	stream.indirect.gather [hbm4b:s3+s24], $0x80, s12, s24, $0xb8;
	[tilespmem:$0x1E100] =	vst v63  }
0x152: {  	_ =	swait.ge [sflag:s29], $0x4000  }
0x153: {  	[sflag:s29] =	ssyncset.done $0x0  }
0x154: {  	s13 =	sadd.s32 $0x1480, s11;
	[sflag:s29] =	ssyncadd.s32 $0xFFFFC000  }
0x155: {  	[spmem:s1] =	stream.indirect.scatter.add.f32 [tilespmem:s26], [sflag:$0x3], $0x80, s13, s24, $0xb8;
	[tilespmem:$0x1E100] =	vst v63  }
0x156: {  	_ =	swait.ge [sflag:s22], $0x4000  }
0x157: {  	[sflag:s22] =	ssyncset.done $0x0  }
0x158: {  	[sflag:s22] =	ssyncadd.s32 $0xFFFFC000  }
0x159: {  	[tilespmem:s26], [sflag:$0x2] =	stream.indirect.gather [hbm4b:s3+s24], $0x80, s30, s24, $0xb8;
	[tilespmem:$0x1E100] =	vst v63  }
0x15a: {  	_ =	swait.ge [sflag:s28], $0x4000  }
0x15b: {  	[sflag:s28] =	ssyncset.done $0x0  }
0x15c: {  	[sflag:s28] =	ssyncadd.s32 $0xFFFFC000  }
0x15d: {  	[spmem:s1] =	stream.indirect.scatter.add.f32 [tilespmem:s25], [sflag:$0x3], $0x80, s31, s24, $0xb8;
	[tilespmem:$0x1E100] =	vst v63  }
0x15e: {  	_ =	swait.ge [sflag:s22], $0x4000  }
0x15f: {  	[sflag:s22] =	ssyncset.done $0x0  }
0x160: {  	[sflag:s22] =	ssyncadd.s32 $0xFFFFC000  }
0x161: {  	_ =	swait.ge [sflag:s29], $0x4000  }
0x162: {  	[sflag:s29] =	ssyncset.done $0x0  }
0x163: {  	[sflag:s29] =	ssyncadd.s32 $0xFFFFC000  }
0x164: {  	[spmem:s1] =	stream.indirect.scatter.add.f32 [tilespmem:s26], [sflag:$0x3], $0x80, s0, s24, $0xb8;
	[tilespmem:$0x1E100] =	vst v63  }
0x165: {  	_ =	swait.ge [sflag:s22], $0x4000  }
0x166: {  	[sflag:s22] =	ssyncset.done $0x0  }
0x167: {  	[sflag:s22] =	ssyncadd.s32 $0xFFFFC000  }
0x168: {  	[bflag:$0x0] =	sbarrier.arrive $0xFFFF  }
0x169: {  	s14 =	rddreg [dreg:$0x6]  }
0x16a: {  	[hbm:s14], [sflag:s21] =	dma.local [spmem:s8], $0x2700  }
.Ltmp9:
0x16b: {  	_ = 	snop;
	(pc) =	sbr.rel @!p2 .LBB2_13-.Ltmp9, $4  }
.Ltmp10:
0x16c: {  	_ = 	snop;
	(pc) =	sbr.rel @p2 .LBB2_12-.Ltmp10, $4  }
0x16d: {  	_ =	swait.ge [sflag:s22], $0x2700  }
0x16e: {  	[sflag:s22] =	ssyncset.done $0x0  }
0x16f: {  	s8 =	rddreg [dreg:$0x3];
	[sflag:s22] =	ssyncadd.s32 $0xFFFFD900  }
0x170: {  	_ = 	snop  }
.LBB2_14:
0x171: {  	_ =	sfence.sel $0x180000  }
0x172: {  	[bflag:$0x0] =	sbarrier.arrive $0xFFFF  }
0x173: {  	_ =	strace $0x9000004A  }
0x174: {  	[bflag:$0x2] =	sbarrier.arrive $0xFFFF  }
0x175: {  	s0 =	rddreg [dreg:$0x2]  }
0x176: {  	s0 =	sadd.s32 @!p1 $0x100000, s0  }
0x177: {  	[sflag:s0] =	ssyncadd.tile.s32 @!p1 $0x1;
	_ =	shalt  }
.Lfunc_end2:
_tile_overlayer_lowered:
.L_overlay_start_2:
0x178: {  	(tag) =	ssettag $0x2  }
0x179: {  	s0 =	rddreg [dreg:$0x0];
	s2 =	stileid.u32  }
0x17a: {  	s1 =	rddreg [dreg:$0x1];
	p0 =	sne.s32 s2, $0x0  }
0x17b: {  	s3 =	rddreg [dreg:$0x2];
	[bflag:$0x3] =	sbarrier.arrive $0xFFFF;
	s2 =	simm.s32 @!p0 $0x1C03  }
0x17c: {  	[timem:s3], [sflag:s2] =	dma.local @!p0 [hbm:s0], s1  }
0x17d: {  	s0 =	simm.s32 @!p0 $0x3  }
0x17e: {  	_ =	swait.ge @!p0 [sflag:s0], s1  }
0x17f: {  	s1 =	ssub.s32 @!p0 $0x0, s1;
	[sflag:s0] =	ssyncset.done @!p0 $0x0  }
0x180: {  	[sflag:s0] =	ssyncadd.s32 @!p0 s1  }
0x181: {  	[bflag:$0x3] =	sbarrier.arrive $0xFFFF  }
0x182: {  	_ =	shalt  }

// kernel: kernel.15.cloned.1.call-start
scs
__scs_entry_jumppad:
0x0: {  	(pc) =	sbr.rel $0x88, $3  }
0x1: {  	(tag) =	ssettag $0x0;
	lr =	simm.s32 $0x1  }
0x2: {  	[smem:$0x3F9A] =	sst lr;
	_ =	strace $0xD0000000  }
0x3: {  	_ = 	snop  }
0x4: {  	_ = 	snop  }
0x5: {  	_ = 	snop  }
0x6: {  	_ = 	snop  }
0x7: {  	_ = 	snop  }
__scs_overlays_trampoline_lowered:
0x8: {  	[smem:$0x3FA9] =	sst s0  }
0x9: {  	[smem:$0x3FAA] =	sst s1  }
0xa: {  	[smem:$0x3FAB] =	sst s2  }
0xb: {  	[smem:$0x3FAC] =	sst s3  }
0xc: {  	[smem:$0x3FAD] =	sst s4  }
0xd: {  	[smem:$0x3FAE] =	sst s5  }
0xe: {  	[smem:$0x3FAF] =	sst s6  }
0xf: {  	[smem:$0x3FB0] =	sst s7  }
0x10: {  	[smem:$0x3FB1] =	sst s8  }
0x11: {  	[smem:$0x3FB2] =	sst s9;
	s0 =	simm.s32 @!p0 $0x0  }
0x12: {  	s1 =	sld [smem:$0x3F98];
	s0 =	simm.s32 @p0 $0x1  }
0x13: {  	[smem:$0x3FB3] =	sst s0;
	s0 =	simm.s32 @!p1 $0x0  }
0x14: {  	s2 =	sld [smem:$0x3F97];
	s0 =	simm.s32 @p1 $0x1  }
0x15: {  	[smem:$0x3FB4] =	sst s0;
	s0 =	simm.s32 @!p2 $0x0  }
0x16: {  	s3 =	sld [smem:$0x3FDB];
	s0 =	simm.s32 @p2 $0x1  }
0x17: {  	s4 =	simm.s32 $0x1BF5;
	[smem:$0x3FB6] =	sst s0  }
0x18: {  	s0 =	sld [smem:$0x3F99];
	_ =	swait.ge [sflag:s4], $0x0  }
0x19: {  	s7 =	sld [smem:$0x3F9A]  }
0x1a: {  	s8 =	sadd.s32 $0xFFFFE003, lr  }
0x1b: {  	s9 =	sadd.s32 $0xFFFFFEF7, lr;
	s5 =	simm.s32 $0xFFFFFFFF;
	p2 =	slt.u32 s8, $0xFFFFF086  }
0x1c: {  	p1 =	slt.u32 s9, $0xF7A;
	s5 =	simm.s32 @!p2 $0x0  }
0x1d: {  	s5 =	simm.s32 @p1 $0x1;
	p0 =	seq.s32 s7, s2  }
0x1e: {  	s7 =	smul.u32 @!p0 $0xF7A, s2;
	p2 =	seq.s32 @!p0 s5, $0x0  }
0x1f: {  	s9 =	smul.u32 $0xF7A, s1;
	s8 =	simm.s32 @!p0 $0x1BF5;
	p2 =	por !p2, p0  }
0x20: {  	[sflag:s8] =	ssyncset.s32 @!p0 $0xFFFFF086;
	s6 =	sadd.s32 @!p0 s3, s7;
	s7 =	simm.s32 @!p0 $0x108  }
0x21: {  	s3 =	sadd.s32 s3, s9;
	s6 =	sadd.s32 @!p0 $0x88, s6;
	s7 =	simm.s32 @p2 $0x1082  }
0x22: {  	[simem:s7], [sflag:s8] =	dma.local @!p0 [hbm:s6], $0xF7A  }
0x23: {  	s9 =	sor.u32 $0xD0000000, s2;
	s6 =	simm.s32 $0x108;
	_ =	swait.ge @!p0 [sflag:s8], $0x0  }
0x24: {  	s3 =	sadd.s32 $0x88, s3;
	s6 =	simm.s32 @!p1 $0x1082;
	[sflag:s4] =	ssyncset.s32 $0xFFFFF086  }
0x25: {  	[simem:s6], [sflag:s4] =	dma.local [hbm:s3], $0xF7A  }
0x26: {  	[smem:$0x3F9A] =	sst s1;
	(tag) =	ssettag s2;
	_ =	strace s9  }
0x27: {  	s1 =	sld [smem:$0x3FAA]  }
0x28: {  	s2 =	sld [smem:$0x3FAB]  }
0x29: {  	s4 =	sld [smem:$0x3FAD]  }
0x2a: {  	p0 =	seq.s32 s5, $0x0;
	s5 =	sld [smem:$0x3FAE]  }
0x2b: {  	s6 =	sld [smem:$0x3FAF]  }
0x2c: {  	s7 =	sld [smem:$0x3FB0]  }
0x2d: {  	s3 =	simm.s32 $0x108;
	s8 =	sld [smem:$0x3FB1]  }
0x2e: {  	s3 =	simm.s32 @!p0 $0x1082;
	s9 =	sld [smem:$0x3FB2]  }
0x2f: {  	lr =	sadd.s32 s0, s3;
	s0 =	sld [smem:$0x3FA9]  }
0x30: {  	s3 =	sld [smem:$0x3FAC]  }
0x31: {  	[smem:$0x3FB5] =	sst s10  }
0x32: {  	s10 =	sld [smem:$0x3FB3];
	_ =	sdelay $0x3  }
0x33: {  	p0 =	seq.s32 s10, $0x1;
	s10 =	sld [smem:$0x3FB5];
	_ =	sdelay $0x3  }
0x34: {  	[smem:$0x3FB5] =	sst s10  }
0x35: {  	s10 =	sld [smem:$0x3FB4];
	_ =	sdelay $0x3  }
0x36: {  	p1 =	seq.s32 s10, $0x1;
	s10 =	sld [smem:$0x3FB5];
	_ =	sdelay $0x3  }
0x37: {  	[smem:$0x3FB5] =	sst s10  }
0x38: {  	s10 =	sld [smem:$0x3FB6]  }
0x39: {  	_ = 	snop;
	(pc) =	sbr.ind lr, $3  }
0x3a: {  	_ = 	snop  }
0x3b: {  	_ = 	snop  }
0x3c: {  	p2 =	seq.s32 s10, $0x1;
	s10 =	sld [smem:$0x3FB5]  }
0x3d: {  	_ =	shalt  }
0x3e: {  	_ =	shalt  }
0x3f: {  	_ =	shalt  }
0x40: {  	_ =	shalt  }
0x41: {  	_ =	shalt  }
0x42: {  	_ =	shalt  }
0x43: {  	_ =	shalt  }
0x44: {  	_ =	shalt  }
0x45: {  	_ =	shalt  }
0x46: {  	_ =	shalt  }
0x47: {  	_ =	shalt  }
0x48: {  	_ =	shalt  }
0x49: {  	_ =	shalt  }
0x4a: {  	_ =	shalt  }
0x4b: {  	_ =	shalt  }
0x4c: {  	_ =	shalt  }
0x4d: {  	_ =	shalt  }
0x4e: {  	_ =	shalt  }
0x4f: {  	_ =	shalt  }
0x50: {  	_ =	shalt  }
0x51: {  	_ =	shalt  }
0x52: {  	_ =	shalt  }
0x53: {  	_ =	shalt  }
0x54: {  	_ =	shalt  }
0x55: {  	_ =	shalt  }
0x56: {  	_ =	shalt  }
0x57: {  	_ =	shalt  }
0x58: {  	_ =	shalt  }
0x59: {  	_ =	shalt  }
0x5a: {  	_ =	shalt  }
0x5b: {  	_ =	shalt  }
0x5c: {  	_ =	shalt  }
0x5d: {  	_ =	shalt  }
0x5e: {  	_ =	shalt  }
0x5f: {  	_ =	shalt  }
0x60: {  	_ =	shalt  }
0x61: {  	_ =	shalt  }
0x62: {  	_ =	shalt  }
0x63: {  	_ =	shalt  }
0x64: {  	_ =	shalt  }
0x65: {  	_ =	shalt  }
0x66: {  	_ =	shalt  }
0x67: {  	_ =	shalt  }
0x68: {  	_ =	shalt  }
0x69: {  	_ =	shalt  }
0x6a: {  	_ =	shalt  }
0x6b: {  	_ =	shalt  }
0x6c: {  	_ =	shalt  }
0x6d: {  	_ =	shalt  }
0x6e: {  	_ =	shalt  }
0x6f: {  	_ =	shalt  }
0x70: {  	_ =	shalt  }
0x71: {  	_ =	shalt  }
0x72: {  	_ =	shalt  }
0x73: {  	_ =	shalt  }
0x74: {  	_ =	shalt  }
0x75: {  	_ =	shalt  }
0x76: {  	_ =	shalt  }
0x77: {  	_ =	shalt  }
0x78: {  	_ =	shalt  }
0x79: {  	_ =	shalt  }
0x7a: {  	_ =	shalt  }
0x7b: {  	_ =	shalt  }
0x7c: {  	_ =	shalt  }
0x7d: {  	_ =	shalt  }
0x7e: {  	_ =	shalt  }
0x7f: {  	_ =	shalt  }
0x80: {  	_ =	shalt  }
0x81: {  	_ =	shalt  }
0x82: {  	_ =	shalt  }
0x83: {  	_ =	shalt  }
0x84: {  	_ =	shalt  }
0x85: {  	_ =	shalt  }
0x86: {  	_ =	shalt  }
0x87: {  	_ =	shalt  }
.Lfunc_end0:
.L_simem_size_0:
called_computation.2_lowered:
.L_overlay_start_0:
0x88: {  	s2 =	sld [smem:$0x3FD9]  }
0x89: {  	s3 =	sld [smem:$0x3FFE];
	_ =	sdelay $0x1  }
0x8a: {  	s1 =	srdreg.scid  }
0x8b: {  	s0 =	sand.u32 $0x1, s1  }
0x8c: {  	s14 =	sshll.u32 s0, $0xA;
	s2 =	sadd.s32 s3, s2  }
0x8d: {  	s2 =	sadd.s32 s2, s14  }
0x8e: {  	[smem:$0x3FC1] =	sst s2  }
0x8f: {  	_ = 	snop  }
0x90: {  	s2 =	sld [smem:$0x3FD0];
	_ =	sdelay $0x2  }
0x91: {  	s15 =	simm.s32 $0xA;
	s4 =	simm.s32 $0x10  }
0x92: {  	[smem:s4], [sflag:s15] =	dma.local [hbm:s2], $0x1  }
0x93: {  	_ =	swait.eq [sflag:s15], $0x1  }
0x94: {  	[sflag:s15] =	ssyncset.done $0x0  }
0x95: {  	[sflag:s15] =	ssyncadd.s32 $0xFFFFFFFF  }
0x96: {  	s16 =	sld [smem:$0x10];
	(tm) =	ssettm $0x1  }
0x97: {  	s17 =	sld [smem:$0x3FFB];
	_ =	sdelay $0x3  }
0x98: {  	_ =	strace s17  }
0x99: {  	s3 =	sld [smem:$0x3FFC];
	_ =	sdelay $0x3  }
0x9a: {  	_ =	strace s3  }
0x9b: {  	s3 =	sld [smem:$0x3FFD];
	_ =	sdelay $0x3  }
0x9c: {  	_ =	strace s3  }
0x9d: {  	_ =	strace $0x8FFFFFFF  }
0x9e: {  	s18 =	sld [smem:$0x3FDB];
	_ =	sdelay $0x1  }
0x9f: {  	s19 =	simm.s32 $_scs_section_size  }
0xa0: {  	s5 =	simm.s32 $_size__tile_overlayer_lowered;
	s6 =	simm.s32 $_tile_overlayer_lowered  }
0xa1: {  	s22 =	simm.s32 $0x1BFF;
	s21 =	sshll.u32 s6, $0x1;
	s3 =	sadd.s32 s19, s18  }
0xa2: {  	s7 =	simm.s32 $0x0;
	s20 =	sshll.u32 s5, $0x1;
	s5 =	sadd.s32 s21, s3  }
0xa3: {  	[timem:s7], [sflag:s22] =	dma.local [hbm:s5], s20  }
0xa4: {  	_ =	swait.ge [sflag:s22], s20  }
0xa5: {  	s4 =	ssub.s32 $0x0, s20;
	[sflag:s22] =	ssyncset.done $0x0  }
0xa6: {  	[sflag:s22] =	ssyncadd.s32 s4;
	_ =	sdelay $0x1  }
0xa7: {  	s23 =	simm.s32 $0x1B8B  }
0xa8: {  	_ =	swait.ge [sflag:s23], $0x1  }
0xa9: {  	[sflag:s23] =	ssyncset.done $0x0  }
0xaa: {  	s25 =	simm.s32 $0x1B8E;
	s24 =	sld [smem:$0x3FFE];
	[sflag:s23] =	ssyncadd.s32 $0xFFFFFFFF  }
0xab: {  	s26 =	simm.s32 $execute0_lowered;
	[smem:$0x3FD2] =	sst s25  }
0xac: {  	s5 =	sshll.u32 s26, $0x1;
	_ =	strace $0x8000004C;
	[dreg:$0x1] =	wrdreg $0xFFFFFFFF  }
0xad: {  	s28 =	simm.s32 $_size_execute0_lowered;
	s3 =	sadd.s32 s3, s5;
	[dreg:$0x0] =	wrdreg $0x0  }
0xae: {  	s5 =	sshll.u32 s28, $0x1;
	[dreg:$0x2] =	wrdreg s3  }
0xaf: {  	[dreg:$0x3] =	wrdreg s5  }
0xb0: {  	[dreg:$0x4] =	wrdreg $0xC0  }
0xb1: {  	_ =	task [dreg:s7], $0x5FFFF  }
0xb2: {  	[dreg:$0x1] =	wrdreg $0xFFFFFFFF  }
0xb3: {  	[dreg:$0x0] =	wrdreg $0x60  }
0xb4: {  	[dreg:$0x2] =	wrdreg s16  }
0xb5: {  	[dreg:$0x3] =	wrdreg s24  }
0xb6: {  	[dreg:$0x4] =	wrdreg $0x68000  }
0xb7: {  	[dreg:$0x5] =	wrdreg $0x9  }
0xb8: {  	_ =	task.clear_ibuf [dreg:s7], $0x6FFFF;
	_ =	strace $0x9000004C  }
0xb9: {  	s29 =	simm.s32 $0x9;
	_ =	strace $0x8000004E  }
0xba: {  	_ =	swait.ge [sflag:s29], $0x1  }
0xbb: {  	[sflag:s29] =	ssyncadd.s32 $0xFFFFFFFF  }
0xbc: {  	_ =	strace $0x9000004E  }
0xbd: {  	_ =	sfence  }
0xbe: {  	s30 =	sld [smem:$0x0];
	_ =	sdelay $0x2  }
0xbf: {  	s31 =	sshll.u32 s1, $0xD;
	s1 =	sshrl.u32 s1, $0x2  }
0xc0: {  	s3 =	sand.u32 $0x4000, s31;
	s1 =	sadd.s32 s1, s30  }
0xc1: {  	s0 =	sor.u32 s3, s0;
	s1 =	sshll.u32 s1, $0x11  }
0xc2: {  	s0 =	sor.u32 s1, s0  }
0xc3: {  	s0 =	sadd.s32 $0x8F2B, s0  }
0xc4: {  	[sflag:s0] =	ssyncadd.remote.s32 $0x1  }
0xc5: {  	_ =	sfence.sel $0xFFFF  }
0xc6: {  	[dreg:$0x0] =	wrdreg $0xFFFFFFFF;
	(pc) =	sbr.abs _section_cstart, $3  }
0xc7: {  	[dreg:$0x1] =	wrdreg $0xFFFFFFFF  }
0xc8: {  	_ =	task.clear_ibuf [dreg:s7], $0x2FFFF;
	_ =	strace $0x9FFFFFFF  }
0xc9: {  	(tm) =	ssettm $0x7FFFFFFF  }
tec
execute0_lowered:
.L_overlay_start_1:
0x0: {  	(tag) =	ssettag $0x1  }
0x1: {  	s0 =	rddreg [dreg:$0x0]  }
0x2: {  	s5 =	rddreg [dreg:$0x1];
	s1 =	srdreg.scid  }
0x3: {  	s2 =	rddreg [dreg:$0x2];
	s25 =	stileid.u32  }
0x4: {  	s3 =	simm.s32 $0x0;
	s16 =	simm.s32 $0x3;
	s18 =	simm.s32 $0x1400  }
0x5: {  	s19 =	simm.s32 $0x80;
	s20 =	simm.s32 $0x2800;
	s21 =	simm.s32 $0x4800  }
0x6: {  	s22 =	simm.s32 $0x1;
	s23 =	simm.s32 $0x2;
	s24 =	simm.s32 $0x1380  }
0x7: {  	s26 =	simm.s32 $0x2780;
	s28 =	simm.s32 $0x0;
	s6 =	smul.u32 $0x28, s25  }
0x8: {  	s12 =	sand.u32 $0x1, s1;
	[smem:$0x7FF] =	sst s3;
	s7 =	smul.u32 $0x9C00, s25  }
0x9: {  	s31 =	sshll.u32 s25, $0x6;
	s1 =	sadd.s32 $0x9C000, s2;
	s9 =	sadd.s32 $0x13800, s0  }
0xa: {  	p0 =	sne.s32 s25, $0x0;
	p2 =	seq.s32 s25, $0x0;
	s25 =	simm.s32 $0x2700  }
0xb: {  	s4 =	smul.u32 $0x280, s12;
	_ =	strace $0x8000004D;
	s30 =	ssub.s32 $0x2, s12  }
0xc: {  	p1 =	seq.s32 s12, $0x1;
	[dreg:$0x4] =	wrdreg s1;
	s17 =	sshrl.u32 @!p0 s1, $0x3  }
0xd: {  	s8 =	sshrl.u32 s30, $0x1;
	s13 =	sshrl.u32 s7, $0x3;
	s15 =	sadd.s32 s7, s2  }
.Ltmp0:
0xe: {  	s7 =	sor.u32 $0x1C03, s31;
	s4 =	sadd.s32 s6, s4;
	(pc) =	sbr.rel .LBB2_1-.Ltmp0, $4  }
0xf: {  	s14 =	ssub.s32 s30, s8;
	s6 =	sadd.s32 s0, s13;
	s4 =	sshll.u32 s4, $0x4  }
0x10: {  	s15 =	sshrl.u32 s15, $0x3;
	s14 =	smax.u32 s14, $0x1;
	s11 =	sadd.s32 s4, s5  }
0x11: {  	s4 =	sadd.s32 $0x6F600, s5;
	s5 =	sadd.s32 $0x5BC00, s5;
	s10 =	sadd.s32 $0x8200, s11  }
0x12: {  	s11 =	sadd.s32 $0x3200, s11;
	s12 =	sadd.s32 s4, s13;
	s13 =	sadd.s32 s5, s13  }
.LBB2_6:
0x13: {  	s8 =	rddreg [dreg:$0x4]  }
0x14: {  	s1 =	sadd.s32 $0x13800, s29;
	s8 =	sshrl.u32 s8, $0x3  }
0x15: {  	[hbm:s1], [sflag:s7] =	dma.local [spmem:s8], $0x80  }
0x16: {  	_ =	swait.ge [sflag:s16], $0x80  }
0x17: {  	[sflag:s16] =	ssyncset.done $0x0  }
0x18: {  	[sflag:s16] =	ssyncadd.s32 $0xFFFFFF80  }
.LBB2_7:
0x19: {  	s28 =	sadd.s32 $0x1, s28  }
0x1a: {  	p3 =	sne.s32 s28, s14  }
.Ltmp1:
0x1b: {  	_ = 	snop;
	(pc) =	sbr.rel @!p3 .LBB2_8-.Ltmp1, $1  }
0x1c: {  	_ =	sdelay $0x3  }
.LBB2_1:
0x1d: {  	[spmem:s15], [sflag:s7] =	dma.local [hbm:s6], $0x1380  }
0x1e: {  	_ =	swait.ge [sflag:s16], $0x1380  }
0x1f: {  	[sflag:s16] =	ssyncset.done $0x0  }
0x20: {  	s29 =	simm.s32 @!p0 $0x3;
	[sflag:s16] =	ssyncadd.s32 $0xFFFFEC80  }
0x21: {  	[spmem:s17], [sflag:s7] =	dma.local @!p0 [hbm:s9], $0x80  }
0x22: {  	_ =	swait.ge @!p0 [sflag:s29], $0x80  }
0x23: {  	[sflag:s29] =	ssyncset.done @!p0 $0x0  }
0x24: {  	[sflag:s29] =	ssyncadd.s32 @!p0 $0xFFFFFF80  }
0x25: {  	[bflag:$0x0] =	sbarrier.arrive $0xFFFF  }
0x26: {  	[tilespmem:s3], [sflag:$0x3] =	stream.linear.gather [hbm4b:s10+s3], $0x1400, $0x38;
	[tilespmem:$0x10480] =	vst v63  }
0x27: {  	_ =	swait.ge [sflag:s16], $0x1400  }
0x28: {  	[sflag:s16] =	ssyncset.done $0x0  }
0x29: {  	[sflag:s16] =	ssyncadd.s32 $0xFFFFEC00  }
0x2a: {  	[tilespmem:s18], [sflag:$0x3] =	stream.linear.gather [hbm4b:s11+s3], $0x1400, $0x38;
	[tilespmem:$0x10480] =	vst v63  }
0x2b: {  	_ =	swait.ge [sflag:s16], $0x1400  }
0x2c: {  	[sflag:s16] =	ssyncset.done $0x0  }
0x2d: {  	[sflag:s16] =	ssyncadd.s32 $0xFFFFEC00  }
0x2e: {  	[tilespmem:s20], [sflag:$0x1] =	stream.indirect.gather [hbm4b:s0+s19], $0x40, s3, s19, $0xb8;
	[tilespmem:$0x10480] =	vst v63  }
0x2f: {  	s29 =	simm.s32 $0x80  }
0x30: {  	[tilespmem:s21], [sflag:$0x2] =	stream.indirect.gather [hbm4b:s0+s19], $0x40, s29, s19, $0xb8;
	[tilespmem:$0x10480] =	vst v63  }
0x31: {  	_ =	swait.ge [sflag:s22], $0x2000  }
0x32: {  	[sflag:s22] =	ssyncset.done $0x0  }
0x33: {  	s29 =	simm.s32 $0x1400;
	[sflag:s22] =	ssyncadd.s32 $0xFFFFE000  }
0x34: {  	[spmem:s2] =	stream.indirect.scatter.add.f32 [tilespmem:s20], [sflag:$0x3], $0x40, s29, s19, $0xb8;
	[tilespmem:$0x10480] =	vst v63  }
0x35: {  	_ =	swait.ge [sflag:s16], $0x2000  }
0x36: {  	[sflag:s16] =	ssyncset.done $0x0  }
0x37: {  	s29 =	simm.s32 $0x100;
	[sflag:s16] =	ssyncadd.s32 $0xFFFFE000  }
0x38: {  	[tilespmem:s20], [sflag:$0x1] =	stream.indirect.gather [hbm4b:s0+s19], $0x40, s29, s19, $0xb8;
	[tilespmem:$0x10480] =	vst v63  }
0x39: {  	_ =	swait.ge [sflag:s23], $0x2000  }
0x3a: {  	[sflag:s23] =	ssyncset.done $0x0  }
0x3b: {  	s29 =	simm.s32 $0x1480;
	[sflag:s23] =	ssyncadd.s32 $0xFFFFE000  }
0x3c: {  	[spmem:s2] =	stream.indirect.scatter.add.f32 [tilespmem:s21], [sflag:$0x3], $0x40, s29, s19, $0xb8;
	[tilespmem:$0x10480] =	vst v63  }
0x3d: {  	_ =	swait.ge [sflag:s16], $0x2000  }
0x3e: {  	s30 =	simm.s32 $0x800;
	s29 =	simm.s32 $0x100;
	[sflag:s16] =	ssyncset.done $0x0  }
.LBB2_2:
0x3f: {  	s31 =	sadd.s32 $0x80, s29  }
0x40: {  	[sflag:s16] =	ssyncadd.s32 $0xFFFFE000;
	s1 =	smov.u32 s30;
	s8 =	sadd.s32 $0x400, s30  }
0x41: {  	[tilespmem:s21], [sflag:$0x2] =	stream.indirect.gather [hbm4b:s0+s19], $0x40, s31, s19, $0xb8;
	[tilespmem:$0x10480] =	vst v63  }
0x42: {  	p3 =	sne.s32 s30, $0x4800;
	_ =	swait.ge [sflag:s22], $0x2000  }
0x43: {  	[sflag:s22] =	ssyncset.done $0x0  }
0x44: {  	s30 =	sadd.s32 $0x1400, s29;
	[sflag:s22] =	ssyncadd.s32 $0xFFFFE000  }
0x45: {  	[spmem:s2] =	stream.indirect.scatter.add.f32 [tilespmem:s20], [sflag:$0x3], $0x40, s30, s19, $0xb8;
	[tilespmem:$0x10480] =	vst v63  }
0x46: {  	_ =	swait.ge [sflag:s16], $0x2000  }
0x47: {  	[sflag:s16] =	ssyncset.done $0x0  }
0x48: {  	s30 =	sadd.s32 $0x100, s29;
	[sflag:s16] =	ssyncadd.s32 $0xFFFFE000  }
0x49: {  	[tilespmem:s20], [sflag:$0x1] =	stream.indirect.gather [hbm4b:s0+s19], $0x40, s30, s19, $0xb8;
	[tilespmem:$0x10480] =	vst v63  }
0x4a: {  	_ =	swait.ge [sflag:s23], $0x2000  }
.Ltmp2:
0x4b: {  	[sflag:s23] =	ssyncset.done $0x0;
	(pc) =	sbr.rel @p3 .LBB2_2-.Ltmp2, $4  }
0x4c: {  	s29 =	sadd.s32 $0x1480, s29;
	[sflag:s23] =	ssyncadd.s32 $0xFFFFE000  }
0x4d: {  	[spmem:s2] =	stream.indirect.scatter.add.f32 [tilespmem:s21], [sflag:$0x3], $0x40, s29, s19, $0xb8;
	[tilespmem:$0x10480] =	vst v63  }
0x4e: {  	_ =	swait.ge [sflag:s16], $0x2000  }
0x4f: {  	s30 =	smov.u32 s8;
	s29 =	sshra.s32 s1, $0x2;
	[sflag:s16] =	ssyncset.done $0x0  }
0x50: {  	s1 =	sadd.s32 $0x80, s29;
	[sflag:s16] =	ssyncadd.s32 $0xFFFFE000  }
0x51: {  	[tilespmem:s21], [sflag:$0x2] =	stream.indirect.gather [hbm4b:s0+s19], $0x40, s1, s19, $0xb8;
	[tilespmem:$0x10480] =	vst v63  }
0x52: {  	_ =	swait.ge [sflag:s22], $0x2000  }
0x53: {  	[sflag:s22] =	ssyncset.done $0x0  }
0x54: {  	s8 =	sadd.s32 $0x1400, s29;
	[sflag:s22] =	ssyncadd.s32 $0xFFFFE000  }
0x55: {  	[spmem:s2] =	stream.indirect.scatter.add.f32 [tilespmem:s20], [sflag:$0x3], $0x40, s8, s19, $0xb8;
	[tilespmem:$0x10480] =	vst v63  }
0x56: {  	_ =	swait.ge [sflag:s16], $0x2000  }
0x57: {  	[sflag:s16] =	ssyncset.done $0x0  }
0x58: {  	s30 =	sadd.s32 $0x100, s29;
	[sflag:s16] =	ssyncadd.s32 $0xFFFFE000  }
0x59: {  	[tilespmem:s20], [sflag:$0x1] =	stream.indirect.gather [hbm4b:s0+s19], $0x40, s30, s19, $0xb8;
	[tilespmem:$0x10480] =	vst v63  }
0x5a: {  	_ =	swait.ge [sflag:s23], $0x2000  }
0x5b: {  	[sflag:s23] =	ssyncset.done $0x0  }
0x5c: {  	s31 =	sadd.s32 $0x1480, s29;
	[sflag:s23] =	ssyncadd.s32 $0xFFFFE000  }
0x5d: {  	[spmem:s2] =	stream.indirect.scatter.add.f32 [tilespmem:s21], [sflag:$0x3], $0x40, s31, s19, $0xb8;
	[tilespmem:$0x10480] =	vst v63  }
0x5e: {  	_ =	swait.ge [sflag:s16], $0x2000  }
0x5f: {  	[sflag:s16] =	ssyncset.done $0x0  }
0x60: {  	[sflag:s16] =	ssyncadd.s32 $0xFFFFE000  }
0x61: {  	[tilespmem:s21], [sflag:$0x2] =	stream.indirect.gather [hbm4b:s0+s19], $0x40, s24, s19, $0xb8;
	[tilespmem:$0x10480] =	vst v63  }
0x62: {  	_ =	swait.ge [sflag:s22], $0x2000  }
0x63: {  	[sflag:s22] =	ssyncset.done $0x0  }
0x64: {  	[sflag:s22] =	ssyncadd.s32 $0xFFFFE000  }
0x65: {  	[spmem:s2] =	stream.indirect.scatter.add.f32 [tilespmem:s20], [sflag:$0x3], $0x40, s25, s19, $0xb8;
	[tilespmem:$0x10480] =	vst v63  }
0x66: {  	_ =	swait.ge [sflag:s16], $0x2000  }
0x67: {  	[sflag:s16] =	ssyncset.done $0x0  }
0x68: {  	[sflag:s16] =	ssyncadd.s32 $0xFFFFE000  }
0x69: {  	_ =	swait.ge [sflag:s23], $0x2000  }
0x6a: {  	[sflag:s23] =	ssyncset.done $0x0  }
0x6b: {  	[sflag:s23] =	ssyncadd.s32 $0xFFFFE000  }
0x6c: {  	[spmem:s2] =	stream.indirect.scatter.add.f32 [tilespmem:s21], [sflag:$0x3], $0x40, s26, s19, $0xb8;
	[tilespmem:$0x10480] =	vst v63  }
.Ltmp3:
0x6d: {  	_ =	swait.ge [sflag:s16], $0x2000;
	(pc) =	sbr.rel @!p1 .LBB2_4-.Ltmp3, $3  }
0x6e: {  	[sflag:s16] =	ssyncset.done $0x0  }
0x6f: {  	[sflag:s16] =	ssyncadd.s32 $0xFFFFE000  }
0x70: {  	[bflag:$0x0] =	sbarrier.arrive $0xFFFF;
	_ =	sdelay $0x1  }
0x71: {  	[hbm:s13], [sflag:s7] =	dma.local [spmem:s15], $0x1380  }
.Ltmp4:
0x72: {  	_ = 	snop;
	(pc) =	sbr.rel @p0 .LBB2_7-.Ltmp4, $4  }
.Ltmp5:
0x73: {  	_ = 	snop;
	(pc) =	sbr.rel @!p0 .LBB2_6-.Ltmp5, $4  }
0x74: {  	_ =	swait.ge [sflag:s16], $0x1380  }
0x75: {  	[sflag:s16] =	ssyncset.done $0x0  }
0x76: {  	s29 =	smov.u32 s5;
	[sflag:s16] =	ssyncadd.s32 $0xFFFFEC80  }
0x77: {  	_ = 	snop  }
.LBB2_4:
0x78: {  	[hbm:s12], [sflag:s7] =	dma.local [spmem:s15], $0x1380  }
.Ltmp6:
0x79: {  	_ = 	snop;
	(pc) =	sbr.rel @!p2 .LBB2_7-.Ltmp6, $4  }
.Ltmp7:
0x7a: {  	_ = 	snop;
	(pc) =	sbr.rel @p2 .LBB2_6-.Ltmp7, $4  }
0x7b: {  	_ =	swait.ge [sflag:s16], $0x1380  }
0x7c: {  	[sflag:s16] =	ssyncset.done $0x0  }
0x7d: {  	s29 =	smov.u32 s4;
	[sflag:s16] =	ssyncadd.s32 $0xFFFFEC80  }
0x7e: {  	_ = 	snop  }
.LBB2_8:
0x7f: {  	_ =	sfence.sel $0x180000  }
0x80: {  	[bflag:$0x0] =	sbarrier.arrive $0xFFFF  }
0x81: {  	_ =	strace $0x9000004D  }
0x82: {  	[bflag:$0x2] =	sbarrier.arrive $0xFFFF  }
0x83: {  	s0 =	rddreg [dreg:$0x3]  }
0x84: {  	s0 =	sadd.s32 @!p0 $0x100000, s0  }
0x85: {  	[sflag:s0] =	ssyncadd.tile.s32 @!p0 $0x1;
	_ =	shalt  }
.Lfunc_end2:
_tile_overlayer_lowered:
.L_overlay_start_2:
0x86: {  	(tag) =	ssettag $0x2  }
0x87: {  	s0 =	rddreg [dreg:$0x0];
	s2 =	stileid.u32  }
0x88: {  	s1 =	rddreg [dreg:$0x1];
	p0 =	sne.s32 s2, $0x0  }
0x89: {  	s3 =	rddreg [dreg:$0x2];
	[bflag:$0x3] =	sbarrier.arrive $0xFFFF;
	s2 =	simm.s32 @!p0 $0x1C03  }
0x8a: {  	[timem:s3], [sflag:s2] =	dma.local @!p0 [hbm:s0], s1  }
0x8b: {  	s0 =	simm.s32 @!p0 $0x3  }
0x8c: {  	_ =	swait.ge @!p0 [sflag:s0], s1  }
0x8d: {  	s1 =	ssub.s32 @!p0 $0x0, s1;
	[sflag:s0] =	ssyncset.done @!p0 $0x0  }
0x8e: {  	[sflag:s0] =	ssyncadd.s32 @!p0 s1  }
0x8f: {  	[bflag:$0x3] =	sbarrier.arrive $0xFFFF  }
0x90: {  	_ =	shalt  }

// kernel: kernel.9.cloned.1.call-start
scs
__scs_entry_jumppad:
0x0: {  	(pc) =	sbr.rel $0x88, $3  }
0x1: {  	(tag) =	ssettag $0x0;
	lr =	simm.s32 $0x1  }
0x2: {  	[smem:$0x3F9A] =	sst lr;
	_ =	strace $0xD0000000  }
0x3: {  	_ = 	snop  }
0x4: {  	_ = 	snop  }
0x5: {  	_ = 	snop  }
0x6: {  	_ = 	snop  }
0x7: {  	_ = 	snop  }
__scs_overlays_trampoline_lowered:
0x8: {  	[smem:$0x3FA9] =	sst s0  }
0x9: {  	[smem:$0x3FAA] =	sst s1  }
0xa: {  	[smem:$0x3FAB] =	sst s2  }
0xb: {  	[smem:$0x3FAC] =	sst s3  }
0xc: {  	[smem:$0x3FAD] =	sst s4  }
0xd: {  	[smem:$0x3FAE] =	sst s5  }
0xe: {  	[smem:$0x3FAF] =	sst s6  }
0xf: {  	[smem:$0x3FB0] =	sst s7  }
0x10: {  	[smem:$0x3FB1] =	sst s8  }
0x11: {  	[smem:$0x3FB2] =	sst s9;
	s0 =	simm.s32 @!p0 $0x0  }
0x12: {  	s1 =	sld [smem:$0x3F98];
	s0 =	simm.s32 @p0 $0x1  }
0x13: {  	[smem:$0x3FB3] =	sst s0;
	s0 =	simm.s32 @!p1 $0x0  }
0x14: {  	s2 =	sld [smem:$0x3F97];
	s0 =	simm.s32 @p1 $0x1  }
0x15: {  	[smem:$0x3FB4] =	sst s0;
	s0 =	simm.s32 @!p2 $0x0  }
0x16: {  	s3 =	sld [smem:$0x3FDB];
	s0 =	simm.s32 @p2 $0x1  }
0x17: {  	s4 =	simm.s32 $0x1BF5;
	[smem:$0x3FB6] =	sst s0  }
0x18: {  	s0 =	sld [smem:$0x3F99];
	_ =	swait.ge [sflag:s4], $0x0  }
0x19: {  	s7 =	sld [smem:$0x3F9A]  }
0x1a: {  	s8 =	sadd.s32 $0xFFFFE003, lr  }
0x1b: {  	s9 =	sadd.s32 $0xFFFFFEF7, lr;
	s5 =	simm.s32 $0xFFFFFFFF;
	p2 =	slt.u32 s8, $0xFFFFF086  }
0x1c: {  	p1 =	slt.u32 s9, $0xF7A;
	s5 =	simm.s32 @!p2 $0x0  }
0x1d: {  	s5 =	simm.s32 @p1 $0x1;
	p0 =	seq.s32 s7, s2  }
0x1e: {  	s7 =	smul.u32 @!p0 $0xF7A, s2;
	p2 =	seq.s32 @!p0 s5, $0x0  }
0x1f: {  	s9 =	smul.u32 $0xF7A, s1;
	s8 =	simm.s32 @!p0 $0x1BF5;
	p2 =	por !p2, p0  }
0x20: {  	[sflag:s8] =	ssyncset.s32 @!p0 $0xFFFFF086;
	s6 =	sadd.s32 @!p0 s3, s7;
	s7 =	simm.s32 @!p0 $0x108  }
0x21: {  	s3 =	sadd.s32 s3, s9;
	s6 =	sadd.s32 @!p0 $0x88, s6;
	s7 =	simm.s32 @p2 $0x1082  }
0x22: {  	[simem:s7], [sflag:s8] =	dma.local @!p0 [hbm:s6], $0xF7A  }
0x23: {  	s9 =	sor.u32 $0xD0000000, s2;
	s6 =	simm.s32 $0x108;
	_ =	swait.ge @!p0 [sflag:s8], $0x0  }
0x24: {  	s3 =	sadd.s32 $0x88, s3;
	s6 =	simm.s32 @!p1 $0x1082;
	[sflag:s4] =	ssyncset.s32 $0xFFFFF086  }
0x25: {  	[simem:s6], [sflag:s4] =	dma.local [hbm:s3], $0xF7A  }
0x26: {  	[smem:$0x3F9A] =	sst s1;
	(tag) =	ssettag s2;
	_ =	strace s9  }
0x27: {  	s1 =	sld [smem:$0x3FAA]  }
0x28: {  	s2 =	sld [smem:$0x3FAB]  }
0x29: {  	s4 =	sld [smem:$0x3FAD]  }
0x2a: {  	p0 =	seq.s32 s5, $0x0;
	s5 =	sld [smem:$0x3FAE]  }
0x2b: {  	s6 =	sld [smem:$0x3FAF]  }
0x2c: {  	s7 =	sld [smem:$0x3FB0]  }
0x2d: {  	s3 =	simm.s32 $0x108;
	s8 =	sld [smem:$0x3FB1]  }
0x2e: {  	s3 =	simm.s32 @!p0 $0x1082;
	s9 =	sld [smem:$0x3FB2]  }
0x2f: {  	lr =	sadd.s32 s0, s3;
	s0 =	sld [smem:$0x3FA9]  }
0x30: {  	s3 =	sld [smem:$0x3FAC]  }
0x31: {  	[smem:$0x3FB5] =	sst s10  }
0x32: {  	s10 =	sld [smem:$0x3FB3];
	_ =	sdelay $0x3  }
0x33: {  	p0 =	seq.s32 s10, $0x1;
	s10 =	sld [smem:$0x3FB5];
	_ =	sdelay $0x3  }
0x34: {  	[smem:$0x3FB5] =	sst s10  }
0x35: {  	s10 =	sld [smem:$0x3FB4];
	_ =	sdelay $0x3  }
0x36: {  	p1 =	seq.s32 s10, $0x1;
	s10 =	sld [smem:$0x3FB5];
	_ =	sdelay $0x3  }
0x37: {  	[smem:$0x3FB5] =	sst s10  }
0x38: {  	s10 =	sld [smem:$0x3FB6]  }
0x39: {  	_ = 	snop;
	(pc) =	sbr.ind lr, $3  }
0x3a: {  	_ = 	snop  }
0x3b: {  	_ = 	snop  }
0x3c: {  	p2 =	seq.s32 s10, $0x1;
	s10 =	sld [smem:$0x3FB5]  }
0x3d: {  	_ =	shalt  }
0x3e: {  	_ =	shalt  }
0x3f: {  	_ =	shalt  }
0x40: {  	_ =	shalt  }
0x41: {  	_ =	shalt  }
0x42: {  	_ =	shalt  }
0x43: {  	_ =	shalt  }
0x44: {  	_ =	shalt  }
0x45: {  	_ =	shalt  }
0x46: {  	_ =	shalt  }
0x47: {  	_ =	shalt  }
0x48: {  	_ =	shalt  }
0x49: {  	_ =	shalt  }
0x4a: {  	_ =	shalt  }
0x4b: {  	_ =	shalt  }
0x4c: {  	_ =	shalt  }
0x4d: {  	_ =	shalt  }
0x4e: {  	_ =	shalt  }
0x4f: {  	_ =	shalt  }
0x50: {  	_ =	shalt  }
0x51: {  	_ =	shalt  }
0x52: {  	_ =	shalt  }
0x53: {  	_ =	shalt  }
0x54: {  	_ =	shalt  }
0x55: {  	_ =	shalt  }
0x56: {  	_ =	shalt  }
0x57: {  	_ =	shalt  }
0x58: {  	_ =	shalt  }
0x59: {  	_ =	shalt  }
0x5a: {  	_ =	shalt  }
0x5b: {  	_ =	shalt  }
0x5c: {  	_ =	shalt  }
0x5d: {  	_ =	shalt  }
0x5e: {  	_ =	shalt  }
0x5f: {  	_ =	shalt  }
0x60: {  	_ =	shalt  }
0x61: {  	_ =	shalt  }
0x62: {  	_ =	shalt  }
0x63: {  	_ =	shalt  }
0x64: {  	_ =	shalt  }
0x65: {  	_ =	shalt  }
0x66: {  	_ =	shalt  }
0x67: {  	_ =	shalt  }
0x68: {  	_ =	shalt  }
0x69: {  	_ =	shalt  }
0x6a: {  	_ =	shalt  }
0x6b: {  	_ =	shalt  }
0x6c: {  	_ =	shalt  }
0x6d: {  	_ =	shalt  }
0x6e: {  	_ =	shalt  }
0x6f: {  	_ =	shalt  }
0x70: {  	_ =	shalt  }
0x71: {  	_ =	shalt  }
0x72: {  	_ =	shalt  }
0x73: {  	_ =	shalt  }
0x74: {  	_ =	shalt  }
0x75: {  	_ =	shalt  }
0x76: {  	_ =	shalt  }
0x77: {  	_ =	shalt  }
0x78: {  	_ =	shalt  }
0x79: {  	_ =	shalt  }
0x7a: {  	_ =	shalt  }
0x7b: {  	_ =	shalt  }
0x7c: {  	_ =	shalt  }
0x7d: {  	_ =	shalt  }
0x7e: {  	_ =	shalt  }
0x7f: {  	_ =	shalt  }
0x80: {  	_ =	shalt  }
0x81: {  	_ =	shalt  }
0x82: {  	_ =	shalt  }
0x83: {  	_ =	shalt  }
0x84: {  	_ =	shalt  }
0x85: {  	_ =	shalt  }
0x86: {  	_ =	shalt  }
0x87: {  	_ =	shalt  }
.Lfunc_end0:
.L_simem_size_0:
called_computation_lowered:
.L_overlay_start_0:
0x88: {  	s2 =	sld [smem:$0x3FD9]  }
0x89: {  	s3 =	sld [smem:$0x3FFE];
	_ =	sdelay $0x1  }
0x8a: {  	s1 =	srdreg.scid  }
0x8b: {  	s0 =	sand.u32 $0x1, s1  }
0x8c: {  	s14 =	sshll.u32 s0, $0xA;
	s2 =	sadd.s32 s3, s2  }
0x8d: {  	s2 =	sadd.s32 s2, s14  }
0x8e: {  	[smem:$0x3FC1] =	sst s2  }
0x8f: {  	_ = 	snop  }
0x90: {  	s2 =	sld [smem:$0x3FD0];
	_ =	sdelay $0x2  }
0x91: {  	s15 =	simm.s32 $0xA;
	s4 =	simm.s32 $0x10  }
0x92: {  	[smem:s4], [sflag:s15] =	dma.local [hbm:s2], $0x1  }
0x93: {  	_ =	swait.eq [sflag:s15], $0x1  }
0x94: {  	[sflag:s15] =	ssyncset.done $0x0  }
0x95: {  	s16 =	sld [smem:$0x10];
	[sflag:s15] =	ssyncadd.s32 $0xFFFFFFFF  }
0x96: {  	s17 =	sld [smem:$0x11];
	(tm) =	ssettm $0x1  }
0x97: {  	s18 =	sld [smem:$0x3FFB];
	_ =	sdelay $0x3  }
0x98: {  	_ =	strace s18  }
0x99: {  	s4 =	sld [smem:$0x3FFC];
	_ =	sdelay $0x3  }
0x9a: {  	_ =	strace s4  }
0x9b: {  	s4 =	sld [smem:$0x3FFD];
	_ =	sdelay $0x3  }
0x9c: {  	_ =	strace s4  }
0x9d: {  	_ =	strace $0x8FFFFFFF  }
0x9e: {  	s19 =	sld [smem:$0x3FDB];
	_ =	sdelay $0x1  }
0x9f: {  	s5 =	simm.s32 $_scs_section_size  }
0xa0: {  	s6 =	simm.s32 $_size__tile_overlayer_lowered;
	s7 =	simm.s32 $_tile_overlayer_lowered  }
0xa1: {  	s22 =	simm.s32 $0x1BFF;
	s21 =	sshll.u32 s7, $0x1;
	s4 =	sadd.s32 s5, s19  }
0xa2: {  	s8 =	simm.s32 $0x0;
	s20 =	sshll.u32 s6, $0x1;
	s6 =	sadd.s32 s21, s4  }
0xa3: {  	[timem:s8], [sflag:s22] =	dma.local [hbm:s6], s20  }
0xa4: {  	_ =	swait.ge [sflag:s22], s20  }
0xa5: {  	s5 =	ssub.s32 $0x0, s20;
	[sflag:s22] =	ssyncset.done $0x0  }
0xa6: {  	[sflag:s22] =	ssyncadd.s32 s5;
	_ =	sdelay $0x1  }
0xa7: {  	s23 =	simm.s32 $0x1B8B  }
0xa8: {  	_ =	swait.ge [sflag:s23], $0x1  }
0xa9: {  	[sflag:s23] =	ssyncset.done $0x0  }
0xaa: {  	s25 =	simm.s32 $0x1B8E;
	s24 =	sld [smem:$0x3FFE];
	[sflag:s23] =	ssyncadd.s32 $0xFFFFFFFF  }
0xab: {  	s26 =	simm.s32 $execute0_lowered;
	[smem:$0x3FD2] =	sst s25  }
0xac: {  	s6 =	sshll.u32 s26, $0x1;
	_ =	strace $0x80000046;
	[dreg:$0x1] =	wrdreg $0xFFFFFFFF  }
0xad: {  	s28 =	simm.s32 $_size_execute0_lowered;
	s4 =	sadd.s32 s4, s6;
	[dreg:$0x0] =	wrdreg $0x0  }
0xae: {  	s6 =	sshll.u32 s28, $0x1;
	[dreg:$0x2] =	wrdreg s4  }
0xaf: {  	[dreg:$0x3] =	wrdreg s6  }
0xb0: {  	[dreg:$0x4] =	wrdreg $0xC0  }
0xb1: {  	_ =	task [dreg:s8], $0x5FFFF  }
0xb2: {  	[dreg:$0x1] =	wrdreg $0xFFFFFFFF  }
0xb3: {  	[dreg:$0x0] =	wrdreg $0x60  }
0xb4: {  	[dreg:$0x2] =	wrdreg s24  }
0xb5: {  	[dreg:$0x3] =	wrdreg s16  }
0xb6: {  	[dreg:$0x4] =	wrdreg s17  }
0xb7: {  	[dreg:$0x5] =	wrdreg $0x1C000  }
0xb8: {  	[dreg:$0x6] =	wrdreg $0x9  }
0xb9: {  	_ =	task.clear_ibuf [dreg:s8], $0x7FFFF;
	_ =	strace $0x90000046  }
0xba: {  	s29 =	simm.s32 $0x9;
	_ =	strace $0x80000048  }
0xbb: {  	_ =	swait.ge [sflag:s29], $0x1  }
0xbc: {  	[sflag:s29] =	ssyncadd.s32 $0xFFFFFFFF  }
0xbd: {  	_ =	strace $0x90000048  }
0xbe: {  	_ =	sfence  }
0xbf: {  	s30 =	sld [smem:$0x0];
	_ =	sdelay $0x2  }
0xc0: {  	s31 =	sshll.u32 s1, $0xD;
	s1 =	sshrl.u32 s1, $0x2  }
0xc1: {  	s3 =	sand.u32 $0x4000, s31;
	s1 =	sadd.s32 s1, s30  }
0xc2: {  	s0 =	sor.u32 s3, s0;
	s1 =	sshll.u32 s1, $0x11  }
0xc3: {  	s0 =	sor.u32 s1, s0  }
0xc4: {  	s0 =	sadd.s32 $0x8F2B, s0  }
0xc5: {  	[sflag:s0] =	ssyncadd.remote.s32 $0x1  }
0xc6: {  	_ =	sfence.sel $0xFFFF  }
0xc7: {  	[dreg:$0x0] =	wrdreg $0xFFFFFFFF;
	(pc) =	sbr.abs _section_cstart, $3  }
0xc8: {  	[dreg:$0x1] =	wrdreg $0xFFFFFFFF  }
0xc9: {  	_ =	task.clear_ibuf [dreg:s8], $0x2FFFF;
	_ =	strace $0x9FFFFFFF  }
0xca: {  	(tm) =	ssettm $0x7FFFFFFF  }
0xcb: {  	_ =	shalt  }
tec
execute0_lowered:
.L_overlay_start_1:
0x0: {  	(tag) =	ssettag $0x1  }
0x1: {  	s5 =	rddreg [dreg:$0x0]  }
0x2: {  	s6 =	rddreg [dreg:$0x1]  }
0x3: {  	s7 =	rddreg [dreg:$0x2];
	s0 =	srdreg.scid  }
0x4: {  	s2 =	rddreg [dreg:$0x3];
	s1 =	stileid.u32;
	s3 =	simm.s32 $0x0  }
0x5: {  	s8 =	sand.u32 $0x1, s0;
	s0 =	rddreg [dreg:$0x4];
	s9 =	smul.u32 $0x280, s1  }
0x6: {  	[smem:$0x7FF] =	sst s3;
	s12 =	smul.u32 $0x2780, s1  }
0x7: {  	s13 =	sadd.s32 $0xD400, s5;
	s31 =	sshll.u32 s1, $0x6;
	s4 =	smul.u32 $0x2800, s8  }
0x8: {  	_ =	strace $0x80000047;
	s29 =	ssub.s32 $0x2, s8;
	p0 =	seq.s32 s8, $0x1  }
0x9: {  	s11 =	sshrl.u32 s29, $0x1;
	s14 =	sadd.s32 s12, s2;
	s30 =	sshrl.u32 s12, $0x3  }
0xa: {  	s13 =	smov.u32 @p0 s7;
	s4 =	sadd.s32 s9, s4;
	s9 =	ssub.s32 s29, s11  }
0xb: {  	s8 =	sadd.s32 s13, s30;
	s11 =	sor.u32 $0x1C01, s31;
	s12 =	sshrl.u32 s14, $0x3  }
0xc: {  	s13 =	simm.s32 $0x80;
	s14 =	simm.s32 $0x0;
	s10 =	sadd.s32 s4, s5  }
0xd: {  	s4 =	sadd.s32 $0xD200, s5;
	s5 =	sadd.s32 s6, s30;
	s7 =	smax.u32 s9, $0x1  }
0xe: {  	s9 =	simm.s32 $0x1400;
	s6 =	sadd.s32 $0x3200, s10;
	s10 =	simm.s32 $0x1  }
.LBB2_1:
0xf: {  	[tilespmem:s9], [sflag:$0x1] =	stream.linear.gather [hbm4b:s4+s3], $0x800, $0x38;
	[tilespmem:$0x4380] =	vst v63  }
0x10: {  	_ =	swait.ge [sflag:s10], $0x800  }
0x11: {  	[sflag:s10] =	ssyncset.done $0x0  }
0x12: {  	[sflag:s10] =	ssyncadd.s32 $0xFFFFF800  }
0x13: {  	[spmem:s12], [sflag:s11] =	dma.local [hbm:s5], $0x4F0  }
0x14: {  	_ =	swait.ge [sflag:s10], $0x4F0  }
0x15: {  	[sflag:s10] =	ssyncset.done $0x0  }
0x16: {  	[sflag:s10] =	ssyncadd.s32 $0xFFFFFB10  }
0x17: {  	[bflag:$0x0] =	sbarrier.arrive $0xFFFF  }
0x18: {  	[tilespmem:s3], [sflag:$0x1] =	stream.linear.gather [hbm4b:s6+s3], $0x1400, $0x38;
	[tilespmem:$0x4380] =	vst v63  }
0x19: {  	_ =	swait.ge [sflag:s10], $0x1400  }
0x1a: {  	[sflag:s10] =	ssyncset.done $0x0  }
0x1b: {  	s15 =	simm.s32 $0x0;
	[sflag:s10] =	ssyncadd.s32 $0xFFFFEC00  }
0x1c: {  	[spmem:s2] =	stream.indirect.scatter.add.f32 [tilespmem:s9], [sflag:$0x1], $0x10, s15, s13, $0xb8;
	[tilespmem:$0x4380] =	vst v63  }
0x1d: {  	_ =	swait.ge [sflag:s10], $0x800  }
0x1e: {  	s15 =	simm.s32 $0x200;
	[sflag:s10] =	ssyncset.done $0x0  }
.LBB2_2:
0x1f: {  	s16 =	sshra.s32 s15, $0x2;
	[sflag:s10] =	ssyncadd.s32 $0xFFFFF800;
	p0 =	sne.s32 s15, $0x4E00  }
0x20: {  	[spmem:s2] =	stream.indirect.scatter.add.f32 [tilespmem:s9], [sflag:$0x1], $0x10, s16, s13, $0xb8;
	[tilespmem:$0x4380] =	vst v63  }
.Ltmp0:
0x21: {  	_ = 	snop;
	(pc) =	sbr.rel @p0 .LBB2_2-.Ltmp0, $4  }
0x22: {  	_ = 	snop  }
0x23: {  	s15 =	sadd.s32 $0x200, s15  }
0x24: {  	_ =	swait.ge [sflag:s10], $0x800  }
0x25: {  	[sflag:s10] =	ssyncset.done $0x0  }
0x26: {  	s14 =	sadd.s32 $0x1, s14  }
0x27: {  	[sflag:s10] =	ssyncadd.s32 $0xFFFFF800;
	p0 =	sne.s32 s14, s7  }
.Ltmp1:
0x28: {  	[bflag:$0x0] =	sbarrier.arrive $0xFFFF;
	(pc) =	sbr.rel @p0 .LBB2_1-.Ltmp1, $4  }
0x29: {  	[hbm:s8], [sflag:s11] =	dma.local [spmem:s12], $0x4F0  }
0x2a: {  	_ =	swait.ge [sflag:s10], $0x4F0  }
0x2b: {  	[sflag:s10] =	ssyncset.done $0x0  }
0x2c: {  	[sflag:s10] =	ssyncadd.s32 $0xFFFFFB10  }
0x2d: {  	_ =	sfence.sel $0x180000  }
0x2e: {  	[bflag:$0x0] =	sbarrier.arrive $0xFFFF  }
0x2f: {  	p0 =	sne.s32 s1, $0x0;
	_ =	strace $0x90000047  }
0x30: {  	s0 =	sadd.s32 @!p0 $0x100000, s0;
	[bflag:$0x2] =	sbarrier.arrive $0xFFFF  }
0x31: {  	[sflag:s0] =	ssyncadd.tile.s32 @!p0 $0x1;
	_ =	shalt  }
.Lfunc_end2:
_tile_overlayer_lowered:
.L_overlay_start_2:
0x32: {  	(tag) =	ssettag $0x2  }
0x33: {  	s0 =	rddreg [dreg:$0x0];
	s2 =	stileid.u32  }
0x34: {  	s1 =	rddreg [dreg:$0x1];
	p0 =	sne.s32 s2, $0x0  }
0x35: {  	s3 =	rddreg [dreg:$0x2];
	[bflag:$0x3] =	sbarrier.arrive $0xFFFF;
	s2 =	simm.s32 @!p0 $0x1C01  }
0x36: {  	[timem:s3], [sflag:s2] =	dma.local @!p0 [hbm:s0], s1  }
0x37: {  	s0 =	simm.s32 @!p0 $0x1  }
0x38: {  	_ =	swait.ge @!p0 [sflag:s0], s1  }
0x39: {  	s1 =	ssub.s32 @!p0 $0x0, s1;
	[sflag:s0] =	ssyncset.done @!p0 $0x0  }
0x3a: {  	[sflag:s0] =	ssyncadd.s32 @!p0 s1  }
0x3b: {  	[bflag:$0x3] =	sbarrier.arrive $0xFFFF  }
0x3c: {  	_ =	shalt  }

</sc_bundles>
